<compile_context>
chip_gen: v7x
topology: tpu7x:2x2x1
jax: 0.10.2.dev20260603
libtpu: 0.0.44.dev20260713+nightly
codegen_flags: <defaults>
</compile_context>

<pallas_src>
import functools

import jax
import jax.numpy as jnp
from jax import lax
from jax.experimental import pallas as pl
from jax.experimental.pallas import tpu as pltpu
from jax.experimental.pallas import tpu_sc as plsc

POOL = 16
ROW = 8192
NROWS = 4096
NWORKERS = 32
RPW = NROWS // NWORKERS
GROUPS = ROW // (POOL * 16)


def _row_extrema(in_ref, out_ref, viota):

    def group(g, carry):
        base = g * (POOL * 16)
        in_g = in_ref.at[pl.ds(base, POOL * 16)]
        out_g = out_ref.at[pl.ds(base, POOL * 16)]
        def chain(j0, half):
            idx = viota + j0
            v = plsc.load_gather(in_g, [idx])
            best = jnp.abs(v)
            bval = v
            bidx = idx
            for j in range(j0 + 1, j0 + half):
                idxj = viota + j
                vj = plsc.load_gather(in_g, [idxj])
                aj = jnp.abs(vj)
                gt = aj > best
                best = jnp.maximum(aj, best)
                bval = jnp.where(gt, vj, bval)
                bidx = jnp.where(gt, idxj, bidx)
            return best, bval, bidx

        bestA, bvalA, bidxA = chain(0, POOL // 2)
        bestB, bvalB, bidxB = chain(POOL // 2, POOL // 2)
        gtB = bestB > bestA
        bval = jnp.where(gtB, bvalB, bvalA)
        bidx = jnp.where(gtB, bidxB, bidxA)
        zeros = jnp.zeros((16,), jnp.float32)
        for jj in range(POOL):
            out_g[pl.ds(jj * 16, 16)] = zeros
        plsc.store_scatter(out_g, [bidx], bval)
        return carry

    lax.fori_loop(0, GROUPS, group, 0)


def _make_sc_kernel():
    mesh = plsc.VectorSubcoreMesh(core_axis_name="c", subcore_axis_name="s")

    NBUF = 4

    @functools.partial(
        pl.kernel,
        mesh=mesh,
        out_type=jax.ShapeDtypeStruct((NROWS, ROW), jnp.float32),
        compiler_params=pltpu.CompilerParams(needs_layout_passes=False),
        scratch_types=(
            [pltpu.VMEM((ROW,), jnp.float32)] * (2 * NBUF)
            + [pltpu.SemaphoreType.DMA] * (2 * NBUF)
        ),
    )
    def k(x_hbm, o_hbm, *scratch):
        ins = scratch[:NBUF]
        outs = scratch[NBUF:2 * NBUF]
        isems = scratch[2 * NBUF:3 * NBUF]
        osems = scratch[3 * NBUF:]
        wid = lax.axis_index("s") * 2 + lax.axis_index("c")
        row0 = wid * RPW
        viota = lax.iota(jnp.int32, 16) * 16

        for b in range(NBUF):
            pltpu.async_copy(x_hbm.at[row0 + b], ins[b], isems[b])

        def chunk(c, carry):
            for b in range(NBUF):
                r = NBUF * c + b
                row = row0 + r
                pltpu.make_async_copy(x_hbm.at[row], ins[b], isems[b]).wait()

                @pl.when(c > 0)
                def _wait_out():
                    pltpu.make_async_copy(outs[b], o_hbm.at[row], osems[b]).wait()

                _row_extrema(ins[b], outs[b], viota)
                pltpu.async_copy(outs[b], o_hbm.at[row], osems[b])

                @pl.when(r + NBUF < RPW)
                def _prefetch():
                    pltpu.async_copy(x_hbm.at[row + NBUF], ins[b], isems[b])
            return carry

        lax.fori_loop(0, RPW // NBUF, chunk, 0)

        for b in range(NBUF):
            pltpu.make_async_copy(outs[b], o_hbm.at[row0 + b], osems[b]).wait()

    return k


_sc_kernel = _make_sc_kernel()


@jax.jit
def kernel(input_):
    B, C, L = input_.shape
    out = _sc_kernel(input_.reshape(B * C, L))
    return out.reshape(B, C, L)

# --- scband reference (transcript-rebuilt; emitter-appended) ---
"""Pipeline reference for scband-extrema-pool-indices1-d-74174085202144 (READ-ONLY COPY).

The authoritative reference and input builder live on the scoring server;
editing this copy changes nothing except your own understanding.
"""

import jax, jax.numpy as jnp
import numpy as np

POOL_SIZE = 16

def setup_inputs(seed: int = 0) -> dict:
    key = jax.random.key(seed)
    input_ = jax.random.normal(key, (4, 1024, 8192), dtype=jnp.float32)
    return {"input_": input_}

def reference(input_):
    k = POOL_SIZE
    B, C, L = input_.shape
    nw = L // k
    # max_pool1d(abs(x), k) with stride=k, return_indices -> per-window argmax of |x|
    xw = input_[..., : nw * k].reshape(B, C, nw, k)
    idx_in_window = jnp.argmax(jnp.abs(xw), axis=-1)  # [B, C, nw]
    extrema_indices = idx_in_window + jnp.arange(nw, dtype=idx_in_window.dtype) * k  # [B, C, nw]
    # gather the signed values at the extrema indices
    gathered = jnp.take_along_axis(input_, extrema_indices, axis=-1)  # [B, C, nw]
    # scatter them into a zero tensor (scatter-overwrite along last dim)
    b_idx = jnp.arange(B)[:, None, None]
    c_idx = jnp.arange(C)[None, :, None]
    out = jnp.zeros_like(input_).at[b_idx, c_idx, extrema_indices].set(gathered)
    return out

if __name__ == "__main__":
    import jax
    _d = setup_inputs()
    print(jax.jit(kernel)(*tuple(_d.values())))

</pallas_src>

<mosaic_0001>
#map = affine_map<(d0, d1) -> (0, 0)>
module attributes {stable_mosaic.version = 14 : i64} {
  func.func @k(%arg0: i32, %arg1: i32, %arg2: memref<4096x8192xf32, #tpu.memory_space<hbm>>, %arg3: memref<4096x8192xf32, #tpu.memory_space<hbm>>, %arg4: memref<8192xf32, #tpu.memory_space<vmem>>, %arg5: memref<8192xf32, #tpu.memory_space<vmem>>, %arg6: memref<8192xf32, #tpu.memory_space<vmem>>, %arg7: memref<8192xf32, #tpu.memory_space<vmem>>, %arg8: memref<8192xf32, #tpu.memory_space<vmem>>, %arg9: memref<8192xf32, #tpu.memory_space<vmem>>, %arg10: memref<8192xf32, #tpu.memory_space<vmem>>, %arg11: memref<8192xf32, #tpu.memory_space<vmem>>, %arg12: memref<!tpu.dma_semaphore, #tpu.memory_space<semaphore_mem>>, %arg13: memref<!tpu.dma_semaphore, #tpu.memory_space<semaphore_mem>>, %arg14: memref<!tpu.dma_semaphore, #tpu.memory_space<semaphore_mem>>, %arg15: memref<!tpu.dma_semaphore, #tpu.memory_space<semaphore_mem>>, %arg16: memref<!tpu.dma_semaphore, #tpu.memory_space<semaphore_mem>>, %arg17: memref<!tpu.dma_semaphore, #tpu.memory_space<semaphore_mem>>, %arg18: memref<!tpu.dma_semaphore, #tpu.memory_space<semaphore_mem>>, %arg19: memref<!tpu.dma_semaphore, #tpu.memory_space<semaphore_mem>>) attributes {dimension_semantics = [#tpu.dimension_semantics<core_parallel>, #tpu.dimension_semantics<subcore_parallel>], iteration_bounds = array<i64: 2, 16>, scalar_prefetch = 0 : i64, scratch_operands = 16 : i64, tpu.core_type = #tpu.core_type<sc_vector_subcore>, window_params = [{transform_indices = #map}, {transform_indices = #map}]} {
    %mul3A = arith.constant 2 : i32
    %mul3A_0 = arith.muli %arg1, %mul3A : i32
    %add3A = arith.addi %mul3A_0, %arg0 : i32
    %mul3A_1 = arith.constant 128 : i32
    %mul3A_2 = arith.muli %add3A, %mul3A_1 : i32
    %iota3A = tpu.iota {dimensions = array<i32: 0>} : vector<16xi32>
    %mul3A_3 = arith.constant 16 : i32
    %mul3A_4 = vector.broadcast %mul3A_3 : i32 to vector<16xi32>
    %mul3A_5 = arith.muli %iota3A, %mul3A_4 : vector<16xi32>
    %add3A_6 = arith.constant 0 : i32
    %add3A_7 = arith.addi %mul3A_2, %add3A_6 : i32
    %dma_start3A = arith.constant 0 : i32
    %dma_start3A_8 = tpu.memref_slice %arg2[%add3A_7, %dma_start3A] : memref<4096x8192xf32, #tpu.memory_space<hbm>> -> memref<1x8192xf32, #tpu.memory_space<hbm>>
    %dma_start3A_9 = tpu.memref_squeeze %dma_start3A_8 : memref<1x8192xf32, #tpu.memory_space<hbm>> -> memref<8192xf32, #tpu.memory_space<hbm>>
    %dma_start3A_10 = arith.constant 0 : i32
    %dma_start3A_11 = tpu.memref_slice %arg2[%add3A_7, %dma_start3A_10] : memref<4096x8192xf32, #tpu.memory_space<hbm>> -> memref<1x8192xf32, #tpu.memory_space<hbm>>
    %dma_start3A_12 = tpu.memref_squeeze %dma_start3A_11 : memref<1x8192xf32, #tpu.memory_space<hbm>> -> memref<8192xf32, #tpu.memory_space<hbm>>
    tpu.enqueue_dma source(%dma_start3A_12 : memref<8192xf32, #tpu.memory_space<hbm>>) target(%arg4 : memref<8192xf32, #tpu.memory_space<vmem>>) target_semaphore(%arg12 : memref<!tpu.dma_semaphore, #tpu.memory_space<semaphore_mem>>)
    %add3A_13 = arith.constant 1 : i32
    %add3A_14 = arith.addi %mul3A_2, %add3A_13 : i32
    %dma_start3A_15 = arith.constant 0 : i32
    %dma_start3A_16 = tpu.memref_slice %arg2[%add3A_14, %dma_start3A_15] : memref<4096x8192xf32, #tpu.memory_space<hbm>> -> memref<1x8192xf32, #tpu.memory_space<hbm>>
    %dma_start3A_17 = tpu.memref_squeeze %dma_start3A_16 : memref<1x8192xf32, #tpu.memory_space<hbm>> -> memref<8192xf32, #tpu.memory_space<hbm>>
    %dma_start3A_18 = arith.constant 0 : i32
    %dma_start3A_19 = tpu.memref_slice %arg2[%add3A_14, %dma_start3A_18] : memref<4096x8192xf32, #tpu.memory_space<hbm>> -> memref<1x8192xf32, #tpu.memory_space<hbm>>
    %dma_start3A_20 = tpu.memref_squeeze %dma_start3A_19 : memref<1x8192xf32, #tpu.memory_space<hbm>> -> memref<8192xf32, #tpu.memory_space<hbm>>
    tpu.enqueue_dma source(%dma_start3A_20 : memref<8192xf32, #tpu.memory_space<hbm>>) target(%arg5 : memref<8192xf32, #tpu.memory_space<vmem>>) target_semaphore(%arg13 : memref<!tpu.dma_semaphore, #tpu.memory_space<semaphore_mem>>)
    %add3A_21 = arith.constant 2 : i32
    %add3A_22 = arith.addi %mul3A_2, %add3A_21 : i32
    %dma_start3A_23 = arith.constant 0 : i32
    %dma_start3A_24 = tpu.memref_slice %arg2[%add3A_22, %dma_start3A_23] : memref<4096x8192xf32, #tpu.memory_space<hbm>> -> memref<1x8192xf32, #tpu.memory_space<hbm>>
    %dma_start3A_25 = tpu.memref_squeeze %dma_start3A_24 : memref<1x8192xf32, #tpu.memory_space<hbm>> -> memref<8192xf32, #tpu.memory_space<hbm>>
    %dma_start3A_26 = arith.constant 0 : i32
    %dma_start3A_27 = tpu.memref_slice %arg2[%add3A_22, %dma_start3A_26] : memref<4096x8192xf32, #tpu.memory_space<hbm>> -> memref<1x8192xf32, #tpu.memory_space<hbm>>
    %dma_start3A_28 = tpu.memref_squeeze %dma_start3A_27 : memref<1x8192xf32, #tpu.memory_space<hbm>> -> memref<8192xf32, #tpu.memory_space<hbm>>
    tpu.enqueue_dma source(%dma_start3A_28 : memref<8192xf32, #tpu.memory_space<hbm>>) target(%arg6 : memref<8192xf32, #tpu.memory_space<vmem>>) target_semaphore(%arg14 : memref<!tpu.dma_semaphore, #tpu.memory_space<semaphore_mem>>)
    %add3A_29 = arith.constant 3 : i32
    %add3A_30 = arith.addi %mul3A_2, %add3A_29 : i32
    %dma_start3A_31 = arith.constant 0 : i32
    %dma_start3A_32 = tpu.memref_slice %arg2[%add3A_30, %dma_start3A_31] : memref<4096x8192xf32, #tpu.memory_space<hbm>> -> memref<1x8192xf32, #tpu.memory_space<hbm>>
    %dma_start3A_33 = tpu.memref_squeeze %dma_start3A_32 : memref<1x8192xf32, #tpu.memory_space<hbm>> -> memref<8192xf32, #tpu.memory_space<hbm>>
    %dma_start3A_34 = arith.constant 0 : i32
    %dma_start3A_35 = tpu.memref_slice %arg2[%add3A_30, %dma_start3A_34] : memref<4096x8192xf32, #tpu.memory_space<hbm>> -> memref<1x8192xf32, #tpu.memory_space<hbm>>
    %dma_start3A_36 = tpu.memref_squeeze %dma_start3A_35 : memref<1x8192xf32, #tpu.memory_space<hbm>> -> memref<8192xf32, #tpu.memory_space<hbm>>
    tpu.enqueue_dma source(%dma_start3A_36 : memref<8192xf32, #tpu.memory_space<hbm>>) target(%arg7 : memref<8192xf32, #tpu.memory_space<vmem>>) target_semaphore(%arg15 : memref<!tpu.dma_semaphore, #tpu.memory_space<semaphore_mem>>)
    %scan3A = arith.constant 0 : i32
    %scan3A_37 = arith.constant 0 : i32
    %scan3A_38 = arith.constant 32 : i32
    %scan3A_39 = arith.addi %scan3A_37, %scan3A_38 : i32
    %scan3A_40 = arith.constant 1 : i32
    scf.for %scan3A_73 = %scan3A_37 to %scan3A_39 step %scan3A_40  : i32 {
      %mul3A_74 = arith.constant 4 : i32
      %mul3A_75 = arith.muli %mul3A_74, %scan3A_73 : i32
      %add3A_76 = arith.constant 0 : i32
      %add3A_77 = arith.addi %mul3A_75, %add3A_76 : i32
      %add3A_78 = arith.addi %mul3A_2, %add3A_77 : i32
      %dma_wait3A_79 = arith.constant 0 : i32
      %dma_wait3A_80 = tpu.memref_slice %arg2[%add3A_78, %dma_wait3A_79] : memref<4096x8192xf32, #tpu.memory_space<hbm>> -> memref<1x8192xf32, #tpu.memory_space<hbm>>
      %dma_wait3A_81 = tpu.memref_squeeze %dma_wait3A_80 : memref<1x8192xf32, #tpu.memory_space<hbm>> -> memref<8192xf32, #tpu.memory_space<hbm>>
      %dma_wait3A_82 = arith.constant 0 : i32
      %dma_wait3A_83 = tpu.memref_slice %arg2[%add3A_78, %dma_wait3A_82] : memref<4096x8192xf32, #tpu.memory_space<hbm>> -> memref<1x8192xf32, #tpu.memory_space<hbm>>
      %dma_wait3A_84 = tpu.memref_squeeze %dma_wait3A_83 : memref<1x8192xf32, #tpu.memory_space<hbm>> -> memref<8192xf32, #tpu.memory_space<hbm>>
      tpu.wait_dma2 semaphore(%arg12 : memref<!tpu.dma_semaphore, #tpu.memory_space<semaphore_mem>>) src(%dma_wait3A_84 : memref<8192xf32, #tpu.memory_space<hbm>>) dst(%arg4 : memref<8192xf32, #tpu.memory_space<vmem>>)
      %gt3A = arith.constant 0 : i32
      %gt3A_85 = arith.cmpi sgt, %scan3A_73, %gt3A : i32
      %convert_element_type3A = arith.extui %gt3A_85 : i1 to i32
      %cond3A = arith.constant 0 : i32
      %cond3A_86 = arith.cmpi ne, %convert_element_type3A, %cond3A : i32
      scf.if %cond3A_86 {
        %dma_wait3A_210 = arith.constant 0 : i32
        %dma_wait3A_211 = tpu.memref_slice %arg3[%add3A_78, %dma_wait3A_210] : memref<4096x8192xf32, #tpu.memory_space<hbm>> -> memref<1x8192xf32, #tpu.memory_space<hbm>>
        %dma_wait3A_212 = tpu.memref_squeeze %dma_wait3A_211 : memref<1x8192xf32, #tpu.memory_space<hbm>> -> memref<8192xf32, #tpu.memory_space<hbm>>
        %dma_wait3A_213 = arith.constant 0 : i32
        %dma_wait3A_214 = tpu.memref_slice %arg3[%add3A_78, %dma_wait3A_213] : memref<4096x8192xf32, #tpu.memory_space<hbm>> -> memref<1x8192xf32, #tpu.memory_space<hbm>>
        %dma_wait3A_215 = tpu.memref_squeeze %dma_wait3A_214 : memref<1x8192xf32, #tpu.memory_space<hbm>> -> memref<8192xf32, #tpu.memory_space<hbm>>
        tpu.wait_dma2 semaphore(%arg16 : memref<!tpu.dma_semaphore, #tpu.memory_space<semaphore_mem>>) src(%arg8 : memref<8192xf32, #tpu.memory_space<vmem>>) dst(%dma_wait3A_215 : memref<8192xf32, #tpu.memory_space<hbm>>)
      } else {
      }
      %scan3A_87 = arith.constant 0 : i32
      %scan3A_88 = arith.constant 0 : i32
      %scan3A_89 = arith.constant 32 : i32
      %scan3A_90 = arith.addi %scan3A_88, %scan3A_89 : i32
      %scan3A_91 = arith.constant 1 : i32
      scf.for %scan3A_210 = %scan3A_88 to %scan3A_90 step %scan3A_91  : i32 {
        %mul3A_211 = arith.constant 256 : i32
        %mul3A_212 = arith.muli %scan3A_210, %mul3A_211 : i32
        %add3A_213 = arith.constant 0 : i32
        %add3A_214 = vector.broadcast %add3A_213 : i32 to vector<16xi32>
        %add3A_215 = arith.addi %mul3A_5, %add3A_214 : vector<16xi32>
        %gather3A = tpu.memref_slice %arg4[%mul3A_212] : memref<8192xf32, #tpu.memory_space<vmem>> -> memref<256xf32, #tpu.memory_space<vmem>>
        %gather3A_216 = tpu.vector_load_idx %gather3A[%add3A_215] : memref<256xf32, #tpu.memory_space<vmem>>[vector<16xi32>], vector<16xf32>,
        %abs3A = math.absf %gather3A_216 : vector<16xf32>
        %add3A_217 = arith.constant 1 : i32
        %add3A_218 = vector.broadcast %add3A_217 : i32 to vector<16xi32>
        %add3A_219 = arith.addi %mul3A_5, %add3A_218 : vector<16xi32>
        %gather3A_220 = tpu.memref_slice %arg4[%mul3A_212] : memref<8192xf32, #tpu.memory_space<vmem>> -> memref<256xf32, #tpu.memory_space<vmem>>
        %gather3A_221 = tpu.vector_load_idx %gather3A_220[%add3A_219] : memref<256xf32, #tpu.memory_space<vmem>>[vector<16xi32>], vector<16xf32>,
        %abs3A_222 = math.absf %gather3A_221 : vector<16xf32>
        %gt3A_223 = arith.cmpf ogt, %abs3A_222, %abs3A : vector<16xf32>
        %max3A = arith.maximumf %abs3A_222, %abs3A : vector<16xf32>
        %select_n3A = arith.select %gt3A_223, %gather3A_221, %gather3A_216 : vector<16xi1>, vector<16xf32>
        %select_n3A_224 = arith.select %gt3A_223, %add3A_219, %add3A_215 : vector<16xi1>, vector<16xi32>
        %add3A_225 = arith.constant 2 : i32
        %add3A_226 = vector.broadcast %add3A_225 : i32 to vector<16xi32>
        %add3A_227 = arith.addi %mul3A_5, %add3A_226 : vector<16xi32>
        %gather3A_228 = tpu.memref_slice %arg4[%mul3A_212] : memref<8192xf32, #tpu.memory_space<vmem>> -> memref<256xf32, #tpu.memory_space<vmem>>
        %gather3A_229 = tpu.vector_load_idx %gather3A_228[%add3A_227] : memref<256xf32, #tpu.memory_space<vmem>>[vector<16xi32>], vector<16xf32>,
        %abs3A_230 = math.absf %gather3A_229 : vector<16xf32>
        %gt3A_231 = arith.cmpf ogt, %abs3A_230, %max3A : vector<16xf32>
        %max3A_232 = arith.maximumf %abs3A_230, %max3A : vector<16xf32>
        %select_n3A_233 = arith.select %gt3A_231, %gather3A_229, %select_n3A : vector<16xi1>, vector<16xf32>
        %select_n3A_234 = arith.select %gt3A_231, %add3A_227, %select_n3A_224 : vector<16xi1>, vector<16xi32>
        %add3A_235 = arith.constant 3 : i32
        %add3A_236 = vector.broadcast %add3A_235 : i32 to vector<16xi32>
        %add3A_237 = arith.addi %mul3A_5, %add3A_236 : vector<16xi32>
        %gather3A_238 = tpu.memref_slice %arg4[%mul3A_212] : memref<8192xf32, #tpu.memory_space<vmem>> -> memref<256xf32, #tpu.memory_space<vmem>>
        %gather3A_239 = tpu.vector_load_idx %gather3A_238[%add3A_237] : memref<256xf32, #tpu.memory_space<vmem>>[vector<16xi32>], vector<16xf32>,
        %abs3A_240 = math.absf %gather3A_239 : vector<16xf32>
        %gt3A_241 = arith.cmpf ogt, %abs3A_240, %max3A_232 : vector<16xf32>
        %max3A_242 = arith.maximumf %abs3A_240, %max3A_232 : vector<16xf32>
        %select_n3A_243 = arith.select %gt3A_241, %gather3A_239, %select_n3A_233 : vector<16xi1>, vector<16xf32>
        %select_n3A_244 = arith.select %gt3A_241, %add3A_237, %select_n3A_234 : vector<16xi1>, vector<16xi32>
        %add3A_245 = arith.constant 4 : i32
        %add3A_246 = vector.broadcast %add3A_245 : i32 to vector<16xi32>
        %add3A_247 = arith.addi %mul3A_5, %add3A_246 : vector<16xi32>
        %gather3A_248 = tpu.memref_slice %arg4[%mul3A_212] : memref<8192xf32, #tpu.memory_space<vmem>> -> memref<256xf32, #tpu.memory_space<vmem>>
        %gather3A_249 = tpu.vector_load_idx %gather3A_248[%add3A_247] : memref<256xf32, #tpu.memory_space<vmem>>[vector<16xi32>], vector<16xf32>,
        %abs3A_250 = math.absf %gather3A_249 : vector<16xf32>
        %gt3A_251 = arith.cmpf ogt, %abs3A_250, %max3A_242 : vector<16xf32>
        %max3A_252 = arith.maximumf %abs3A_250, %max3A_242 : vector<16xf32>
        %select_n3A_253 = arith.select %gt3A_251, %gather3A_249, %select_n3A_243 : vector<16xi1>, vector<16xf32>
        %select_n3A_254 = arith.select %gt3A_251, %add3A_247, %select_n3A_244 : vector<16xi1>, vector<16xi32>
        %add3A_255 = arith.constant 5 : i32
        %add3A_256 = vector.broadcast %add3A_255 : i32 to vector<16xi32>
        %add3A_257 = arith.addi %mul3A_5, %add3A_256 : vector<16xi32>
        %gather3A_258 = tpu.memref_slice %arg4[%mul3A_212] : memref<8192xf32, #tpu.memory_space<vmem>> -> memref<256xf32, #tpu.memory_space<vmem>>
        %gather3A_259 = tpu.vector_load_idx %gather3A_258[%add3A_257] : memref<256xf32, #tpu.memory_space<vmem>>[vector<16xi32>], vector<16xf32>,
        %abs3A_260 = math.absf %gather3A_259 : vector<16xf32>
        %gt3A_261 = arith.cmpf ogt, %abs3A_260, %max3A_252 : vector<16xf32>
        %max3A_262 = arith.maximumf %abs3A_260, %max3A_252 : vector<16xf32>
        %select_n3A_263 = arith.select %gt3A_261, %gather3A_259, %select_n3A_253 : vector<16xi1>, vector<16xf32>
        %select_n3A_264 = arith.select %gt3A_261, %add3A_257, %select_n3A_254 : vector<16xi1>, vector<16xi32>
        %add3A_265 = arith.constant 6 : i32
        %add3A_266 = vector.broadcast %add3A_265 : i32 to vector<16xi32>
        %add3A_267 = arith.addi %mul3A_5, %add3A_266 : vector<16xi32>
        %gather3A_268 = tpu.memref_slice %arg4[%mul3A_212] : memref<8192xf32, #tpu.memory_space<vmem>> -> memref<256xf32, #tpu.memory_space<vmem>>
        %gather3A_269 = tpu.vector_load_idx %gather3A_268[%add3A_267] : memref<256xf32, #tpu.memory_space<vmem>>[vector<16xi32>], vector<16xf32>,
        %abs3A_270 = math.absf %gather3A_269 : vector<16xf32>
        %gt3A_271 = arith.cmpf ogt, %abs3A_270, %max3A_262 : vector<16xf32>
        %max3A_272 = arith.maximumf %abs3A_270, %max3A_262 : vector<16xf32>
        %select_n3A_273 = arith.select %gt3A_271, %gather3A_269, %select_n3A_263 : vector<16xi1>, vector<16xf32>
        %select_n3A_274 = arith.select %gt3A_271, %add3A_267, %select_n3A_264 : vector<16xi1>, vector<16xi32>
        %add3A_275 = arith.constant 7 : i32
        %add3A_276 = vector.broadcast %add3A_275 : i32 to vector<16xi32>
        %add3A_277 = arith.addi %mul3A_5, %add3A_276 : vector<16xi32>
        %gather3A_278 = tpu.memref_slice %arg4[%mul3A_212] : memref<8192xf32, #tpu.memory_space<vmem>> -> memref<256xf32, #tpu.memory_space<vmem>>
        %gather3A_279 = tpu.vector_load_idx %gather3A_278[%add3A_277] : memref<256xf32, #tpu.memory_space<vmem>>[vector<16xi32>], vector<16xf32>,
        %abs3A_280 = math.absf %gather3A_279 : vector<16xf32>
        %gt3A_281 = arith.cmpf ogt, %abs3A_280, %max3A_272 : vector<16xf32>
        %max3A_282 = arith.maximumf %abs3A_280, %max3A_272 : vector<16xf32>
        %select_n3A_283 = arith.select %gt3A_281, %gather3A_279, %select_n3A_273 : vector<16xi1>, vector<16xf32>
        %select_n3A_284 = arith.select %gt3A_281, %add3A_277, %select_n3A_274 : vector<16xi1>, vector<16xi32>
        %add3A_285 = arith.constant 8 : i32
        %add3A_286 = vector.broadcast %add3A_285 : i32 to vector<16xi32>
        %add3A_287 = arith.addi %mul3A_5, %add3A_286 : vector<16xi32>
        %gather3A_288 = tpu.memref_slice %arg4[%mul3A_212] : memref<8192xf32, #tpu.memory_space<vmem>> -> memref<256xf32, #tpu.memory_space<vmem>>
        %gather3A_289 = tpu.vector_load_idx %gather3A_288[%add3A_287] : memref<256xf32, #tpu.memory_space<vmem>>[vector<16xi32>], vector<16xf32>,
        %abs3A_290 = math.absf %gather3A_289 : vector<16xf32>
        %add3A_291 = arith.constant 9 : i32
        %add3A_292 = vector.broadcast %add3A_291 : i32 to vector<16xi32>
        %add3A_293 = arith.addi %mul3A_5, %add3A_292 : vector<16xi32>
        %gather3A_294 = tpu.memref_slice %arg4[%mul3A_212] : memref<8192xf32, #tpu.memory_space<vmem>> -> memref<256xf32, #tpu.memory_space<vmem>>
        %gather3A_295 = tpu.vector_load_idx %gather3A_294[%add3A_293] : memref<256xf32, #tpu.memory_space<vmem>>[vector<16xi32>], vector<16xf32>,
        %abs3A_296 = math.absf %gather3A_295 : vector<16xf32>
        %gt3A_297 = arith.cmpf ogt, %abs3A_296, %abs3A_290 : vector<16xf32>
        %max3A_298 = arith.maximumf %abs3A_296, %abs3A_290 : vector<16xf32>
        %select_n3A_299 = arith.select %gt3A_297, %gather3A_295, %gather3A_289 : vector<16xi1>, vector<16xf32>
        %select_n3A_300 = arith.select %gt3A_297, %add3A_293, %add3A_287 : vector<16xi1>, vector<16xi32>
        %add3A_301 = arith.constant 10 : i32
        %add3A_302 = vector.broadcast %add3A_301 : i32 to vector<16xi32>
        %add3A_303 = arith.addi %mul3A_5, %add3A_302 : vector<16xi32>
        %gather3A_304 = tpu.memref_slice %arg4[%mul3A_212] : memref<8192xf32, #tpu.memory_space<vmem>> -> memref<256xf32, #tpu.memory_space<vmem>>
        %gather3A_305 = tpu.vector_load_idx %gather3A_304[%add3A_303] : memref<256xf32, #tpu.memory_space<vmem>>[vector<16xi32>], vector<16xf32>,
        %abs3A_306 = math.absf %gather3A_305 : vector<16xf32>
        %gt3A_307 = arith.cmpf ogt, %abs3A_306, %max3A_298 : vector<16xf32>
        %max3A_308 = arith.maximumf %abs3A_306, %max3A_298 : vector<16xf32>
        %select_n3A_309 = arith.select %gt3A_307, %gather3A_305, %select_n3A_299 : vector<16xi1>, vector<16xf32>
        %select_n3A_310 = arith.select %gt3A_307, %add3A_303, %select_n3A_300 : vector<16xi1>, vector<16xi32>
        %add3A_311 = arith.constant 11 : i32
        %add3A_312 = vector.broadcast %add3A_311 : i32 to vector<16xi32>
        %add3A_313 = arith.addi %mul3A_5, %add3A_312 : vector<16xi32>
        %gather3A_314 = tpu.memref_slice %arg4[%mul3A_212] : memref<8192xf32, #tpu.memory_space<vmem>> -> memref<256xf32, #tpu.memory_space<vmem>>
        %gather3A_315 = tpu.vector_load_idx %gather3A_314[%add3A_313] : memref<256xf32, #tpu.memory_space<vmem>>[vector<16xi32>], vector<16xf32>,
        %abs3A_316 = math.absf %gather3A_315 : vector<16xf32>
        %gt3A_317 = arith.cmpf ogt, %abs3A_316, %max3A_308 : vector<16xf32>
        %max3A_318 = arith.maximumf %abs3A_316, %max3A_308 : vector<16xf32>
        %select_n3A_319 = arith.select %gt3A_317, %gather3A_315, %select_n3A_309 : vector<16xi1>, vector<16xf32>
        %select_n3A_320 = arith.select %gt3A_317, %add3A_313, %select_n3A_310 : vector<16xi1>, vector<16xi32>
        %add3A_321 = arith.constant 12 : i32
        %add3A_322 = vector.broadcast %add3A_321 : i32 to vector<16xi32>
        %add3A_323 = arith.addi %mul3A_5, %add3A_322 : vector<16xi32>
        %gather3A_324 = tpu.memref_slice %arg4[%mul3A_212] : memref<8192xf32, #tpu.memory_space<vmem>> -> memref<256xf32, #tpu.memory_space<vmem>>
        %gather3A_325 = tpu.vector_load_idx %gather3A_324[%add3A_323] : memref<256xf32, #tpu.memory_space<vmem>>[vector<16xi32>], vector<16xf32>,
        %abs3A_326 = math.absf %gather3A_325 : vector<16xf32>
        %gt3A_327 = arith.cmpf ogt, %abs3A_326, %max3A_318 : vector<16xf32>
        %max3A_328 = arith.maximumf %abs3A_326, %max3A_318 : vector<16xf32>
        %select_n3A_329 = arith.select %gt3A_327, %gather3A_325, %select_n3A_319 : vector<16xi1>, vector<16xf32>
        %select_n3A_330 = arith.select %gt3A_327, %add3A_323, %select_n3A_320 : vector<16xi1>, vector<16xi32>
        %add3A_331 = arith.constant 13 : i32
        %add3A_332 = vector.broadcast %add3A_331 : i32 to vector<16xi32>
        %add3A_333 = arith.addi %mul3A_5, %add3A_332 : vector<16xi32>
        %gather3A_334 = tpu.memref_slice %arg4[%mul3A_212] : memref<8192xf32, #tpu.memory_space<vmem>> -> memref<256xf32, #tpu.memory_space<vmem>>
        %gather3A_335 = tpu.vector_load_idx %gather3A_334[%add3A_333] : memref<256xf32, #tpu.memory_space<vmem>>[vector<16xi32>], vector<16xf32>,
        %abs3A_336 = math.absf %gather3A_335 : vector<16xf32>
        %gt3A_337 = arith.cmpf ogt, %abs3A_336, %max3A_328 : vector<16xf32>
        %max3A_338 = arith.maximumf %abs3A_336, %max3A_328 : vector<16xf32>
        %select_n3A_339 = arith.select %gt3A_337, %gather3A_335, %select_n3A_329 : vector<16xi1>, vector<16xf32>
        %select_n3A_340 = arith.select %gt3A_337, %add3A_333, %select_n3A_330 : vector<16xi1>, vector<16xi32>
        %add3A_341 = arith.constant 14 : i32
        %add3A_342 = vector.broadcast %add3A_341 : i32 to vector<16xi32>
        %add3A_343 = arith.addi %mul3A_5, %add3A_342 : vector<16xi32>
        %gather3A_344 = tpu.memref_slice %arg4[%mul3A_212] : memref<8192xf32, #tpu.memory_space<vmem>> -> memref<256xf32, #tpu.memory_space<vmem>>
        %gather3A_345 = tpu.vector_load_idx %gather3A_344[%add3A_343] : memref<256xf32, #tpu.memory_space<vmem>>[vector<16xi32>], vector<16xf32>,
        %abs3A_346 = math.absf %gather3A_345 : vector<16xf32>
        %gt3A_347 = arith.cmpf ogt, %abs3A_346, %max3A_338 : vector<16xf32>
        %max3A_348 = arith.maximumf %abs3A_346, %max3A_338 : vector<16xf32>
        %select_n3A_349 = arith.select %gt3A_347, %gather3A_345, %select_n3A_339 : vector<16xi1>, vector<16xf32>
        %select_n3A_350 = arith.select %gt3A_347, %add3A_343, %select_n3A_340 : vector<16xi1>, vector<16xi32>
        %add3A_351 = arith.constant 15 : i32
        %add3A_352 = vector.broadcast %add3A_351 : i32 to vector<16xi32>
        %add3A_353 = arith.addi %mul3A_5, %add3A_352 : vector<16xi32>
        %gather3A_354 = tpu.memref_slice %arg4[%mul3A_212] : memref<8192xf32, #tpu.memory_space<vmem>> -> memref<256xf32, #tpu.memory_space<vmem>>
        %gather3A_355 = tpu.vector_load_idx %gather3A_354[%add3A_353] : memref<256xf32, #tpu.memory_space<vmem>>[vector<16xi32>], vector<16xf32>,
        %abs3A_356 = math.absf %gather3A_355 : vector<16xf32>
        %gt3A_357 = arith.cmpf ogt, %abs3A_356, %max3A_348 : vector<16xf32>
        %max3A_358 = arith.maximumf %abs3A_356, %max3A_348 : vector<16xf32>
        %select_n3A_359 = arith.select %gt3A_357, %gather3A_355, %select_n3A_349 : vector<16xi1>, vector<16xf32>
        %select_n3A_360 = arith.select %gt3A_357, %add3A_353, %select_n3A_350 : vector<16xi1>, vector<16xi32>
        %gt3A_361 = arith.cmpf ogt, %max3A_358, %max3A_282 : vector<16xf32>
        %select_n3A_362 = arith.select %gt3A_361, %select_n3A_359, %select_n3A_283 : vector<16xi1>, vector<16xf32>
        %select_n3A_363 = arith.select %gt3A_361, %select_n3A_360, %select_n3A_284 : vector<16xi1>, vector<16xi32>
        %broadcast_in_dim3A = arith.constant 0.000000e+00 : f32
        %broadcast_in_dim3A_364 = vector.broadcast %broadcast_in_dim3A : f32 to vector<16xf32>
        %swap3A = tpu.memref_slice %arg8[%mul3A_212] : memref<8192xf32, #tpu.memory_space<vmem>> -> memref<256xf32, #tpu.memory_space<vmem>>
        %swap3A_365 = arith.constant 0 : index
        %swap3A_366 = tpu.vector_load %swap3A[%swap3A_365] {strides = array<i32>} : memref<256xf32, #tpu.memory_space<vmem>>, vector<16xf32>,
        tpu.vector_store %swap3A[%swap3A_365], %broadcast_in_dim3A_364 {strides = array<i32>} : memref<256xf32, #tpu.memory_space<vmem>>, vector<16xf32>,
        %swap3A_367 = tpu.memref_slice %arg8[%mul3A_212] : memref<8192xf32, #tpu.memory_space<vmem>> -> memref<256xf32, #tpu.memory_space<vmem>>
        %swap3A_368 = arith.constant 16 : index
        %swap3A_369 = tpu.vector_load %swap3A_367[%swap3A_368] {strides = array<i32>} : memref<256xf32, #tpu.memory_space<vmem>>, vector<16xf32>,
        tpu.vector_store %swap3A_367[%swap3A_368], %broadcast_in_dim3A_364 {strides = array<i32>} : memref<256xf32, #tpu.memory_space<vmem>>, vector<16xf32>,
        %swap3A_370 = tpu.memref_slice %arg8[%mul3A_212] : memref<8192xf32, #tpu.memory_space<vmem>> -> memref<256xf32, #tpu.memory_space<vmem>>
        %swap3A_371 = arith.constant 32 : index
        %swap3A_372 = tpu.vector_load %swap3A_370[%swap3A_371] {strides = array<i32>} : memref<256xf32, #tpu.memory_space<vmem>>, vector<16xf32>,
        tpu.vector_store %swap3A_370[%swap3A_371], %broadcast_in_dim3A_364 {strides = array<i32>} : memref<256xf32, #tpu.memory_space<vmem>>, vector<16xf32>,
        %swap3A_373 = tpu.memref_slice %arg8[%mul3A_212] : memref<8192xf32, #tpu.memory_space<vmem>> -> memref<256xf32, #tpu.memory_space<vmem>>
        %swap3A_374 = arith.constant 48 : index
        %swap3A_375 = tpu.vector_load %swap3A_373[%swap3A_374] {strides = array<i32>} : memref<256xf32, #tpu.memory_space<vmem>>, vector<16xf32>,
        tpu.vector_store %swap3A_373[%swap3A_374], %broadcast_in_dim3A_364 {strides = array<i32>} : memref<256xf32, #tpu.memory_space<vmem>>, vector<16xf32>,
        %swap3A_376 = tpu.memref_slice %arg8[%mul3A_212] : memref<8192xf32, #tpu.memory_space<vmem>> -> memref<256xf32, #tpu.memory_space<vmem>>
        %swap3A_377 = arith.constant 64 : index
        %swap3A_378 = tpu.vector_load %swap3A_376[%swap3A_377] {strides = array<i32>} : memref<256xf32, #tpu.memory_space<vmem>>, vector<16xf32>,
        tpu.vector_store %swap3A_376[%swap3A_377], %broadcast_in_dim3A_364 {strides = array<i32>} : memref<256xf32, #tpu.memory_space<vmem>>, vector<16xf32>,
        %swap3A_379 = tpu.memref_slice %arg8[%mul3A_212] : memref<8192xf32, #tpu.memory_space<vmem>> -> memref<256xf32, #tpu.memory_space<vmem>>
        %swap3A_380 = arith.constant 80 : index
        %swap3A_381 = tpu.vector_load %swap3A_379[%swap3A_380] {strides = array<i32>} : memref<256xf32, #tpu.memory_space<vmem>>, vector<16xf32>,
        tpu.vector_store %swap3A_379[%swap3A_380], %broadcast_in_dim3A_364 {strides = array<i32>} : memref<256xf32, #tpu.memory_space<vmem>>, vector<16xf32>,
        %swap3A_382 = tpu.memref_slice %arg8[%mul3A_212] : memref<8192xf32, #tpu.memory_space<vmem>> -> memref<256xf32, #tpu.memory_space<vmem>>
        %swap3A_383 = arith.constant 96 : index
        %swap3A_384 = tpu.vector_load %swap3A_382[%swap3A_383] {strides = array<i32>} : memref<256xf32, #tpu.memory_space<vmem>>, vector<16xf32>,
        tpu.vector_store %swap3A_382[%swap3A_383], %broadcast_in_dim3A_364 {strides = array<i32>} : memref<256xf32, #tpu.memory_space<vmem>>, vector<16xf32>,
        %swap3A_385 = tpu.memref_slice %arg8[%mul3A_212] : memref<8192xf32, #tpu.memory_space<vmem>> -> memref<256xf32, #tpu.memory_space<vmem>>
        %swap3A_386 = arith.constant 112 : index
        %swap3A_387 = tpu.vector_load %swap3A_385[%swap3A_386] {strides = array<i32>} : memref<256xf32, #tpu.memory_space<vmem>>, vector<16xf32>,
        tpu.vector_store %swap3A_385[%swap3A_386], %broadcast_in_dim3A_364 {strides = array<i32>} : memref<256xf32, #tpu.memory_space<vmem>>, vector<16xf32>,
        %swap3A_388 = tpu.memref_slice %arg8[%mul3A_212] : memref<8192xf32, #tpu.memory_space<vmem>> -> memref<256xf32, #tpu.memory_space<vmem>>
        %swap3A_389 = arith.constant 128 : index
        %swap3A_390 = tpu.vector_load %swap3A_388[%swap3A_389] {strides = array<i32>} : memref<256xf32, #tpu.memory_space<vmem>>, vector<16xf32>,
        tpu.vector_store %swap3A_388[%swap3A_389], %broadcast_in_dim3A_364 {strides = array<i32>} : memref<256xf32, #tpu.memory_space<vmem>>, vector<16xf32>,
        %swap3A_391 = tpu.memref_slice %arg8[%mul3A_212] : memref<8192xf32, #tpu.memory_space<vmem>> -> memref<256xf32, #tpu.memory_space<vmem>>
        %swap3A_392 = arith.constant 144 : index
        %swap3A_393 = tpu.vector_load %swap3A_391[%swap3A_392] {strides = array<i32>} : memref<256xf32, #tpu.memory_space<vmem>>, vector<16xf32>,
        tpu.vector_store %swap3A_391[%swap3A_392], %broadcast_in_dim3A_364 {strides = array<i32>} : memref<256xf32, #tpu.memory_space<vmem>>, vector<16xf32>,
        %swap3A_394 = tpu.memref_slice %arg8[%mul3A_212] : memref<8192xf32, #tpu.memory_space<vmem>> -> memref<256xf32, #tpu.memory_space<vmem>>
        %swap3A_395 = arith.constant 160 : index
        %swap3A_396 = tpu.vector_load %swap3A_394[%swap3A_395] {strides = array<i32>} : memref<256xf32, #tpu.memory_space<vmem>>, vector<16xf32>,
        tpu.vector_store %swap3A_394[%swap3A_395], %broadcast_in_dim3A_364 {strides = array<i32>} : memref<256xf32, #tpu.memory_space<vmem>>, vector<16xf32>,
        %swap3A_397 = tpu.memref_slice %arg8[%mul3A_212] : memref<8192xf32, #tpu.memory_space<vmem>> -> memref<256xf32, #tpu.memory_space<vmem>>
        %swap3A_398 = arith.constant 176 : index
        %swap3A_399 = tpu.vector_load %swap3A_397[%swap3A_398] {strides = array<i32>} : memref<256xf32, #tpu.memory_space<vmem>>, vector<16xf32>,
        tpu.vector_store %swap3A_397[%swap3A_398], %broadcast_in_dim3A_364 {strides = array<i32>} : memref<256xf32, #tpu.memory_space<vmem>>, vector<16xf32>,
        %swap3A_400 = tpu.memref_slice %arg8[%mul3A_212] : memref<8192xf32, #tpu.memory_space<vmem>> -> memref<256xf32, #tpu.memory_space<vmem>>
        %swap3A_401 = arith.constant 192 : index
        %swap3A_402 = tpu.vector_load %swap3A_400[%swap3A_401] {strides = array<i32>} : memref<256xf32, #tpu.memory_space<vmem>>, vector<16xf32>,
        tpu.vector_store %swap3A_400[%swap3A_401], %broadcast_in_dim3A_364 {strides = array<i32>} : memref<256xf32, #tpu.memory_space<vmem>>, vector<16xf32>,
        %swap3A_403 = tpu.memref_slice %arg8[%mul3A_212] : memref<8192xf32, #tpu.memory_space<vmem>> -> memref<256xf32, #tpu.memory_space<vmem>>
        %swap3A_404 = arith.constant 208 : index
        %swap3A_405 = tpu.vector_load %swap3A_403[%swap3A_404] {strides = array<i32>} : memref<256xf32, #tpu.memory_space<vmem>>, vector<16xf32>,
        tpu.vector_store %swap3A_403[%swap3A_404], %broadcast_in_dim3A_364 {strides = array<i32>} : memref<256xf32, #tpu.memory_space<vmem>>, vector<16xf32>,
        %swap3A_406 = tpu.memref_slice %arg8[%mul3A_212] : memref<8192xf32, #tpu.memory_space<vmem>> -> memref<256xf32, #tpu.memory_space<vmem>>
        %swap3A_407 = arith.constant 224 : index
        %swap3A_408 = tpu.vector_load %swap3A_406[%swap3A_407] {strides = array<i32>} : memref<256xf32, #tpu.memory_space<vmem>>, vector<16xf32>,
        tpu.vector_store %swap3A_406[%swap3A_407], %broadcast_in_dim3A_364 {strides = array<i32>} : memref<256xf32, #tpu.memory_space<vmem>>, vector<16xf32>,
        %swap3A_409 = tpu.memref_slice %arg8[%mul3A_212] : memref<8192xf32, #tpu.memory_space<vmem>> -> memref<256xf32, #tpu.memory_space<vmem>>
        %swap3A_410 = arith.constant 240 : index
        %swap3A_411 = tpu.vector_load %swap3A_409[%swap3A_410] {strides = array<i32>} : memref<256xf32, #tpu.memory_space<vmem>>, vector<16xf32>,
        tpu.vector_store %swap3A_409[%swap3A_410], %broadcast_in_dim3A_364 {strides = array<i32>} : memref<256xf32, #tpu.memory_space<vmem>>, vector<16xf32>,
        %scatter3A = tpu.memref_slice %arg8[%mul3A_212] : memref<8192xf32, #tpu.memory_space<vmem>> -> memref<256xf32, #tpu.memory_space<vmem>>
        tpu.vector_store_idx %scatter3A[%select_n3A_363], %select_n3A_362 : memref<256xf32, #tpu.memory_space<vmem>>[vector<16xi32>], vector<16xf32>,
      }
      %scan3A_92 = arith.constant 32 : i32
      %dma_start3A_93 = arith.constant 0 : i32
      %dma_start3A_94 = tpu.memref_slice %arg3[%add3A_78, %dma_start3A_93] : memref<4096x8192xf32, #tpu.memory_space<hbm>> -> memref<1x8192xf32, #tpu.memory_space<hbm>>
      %dma_start3A_95 = tpu.memref_squeeze %dma_start3A_94 : memref<1x8192xf32, #tpu.memory_space<hbm>> -> memref<8192xf32, #tpu.memory_space<hbm>>
      %dma_start3A_96 = arith.constant 0 : i32
      %dma_start3A_97 = tpu.memref_slice %arg3[%add3A_78, %dma_start3A_96] : memref<4096x8192xf32, #tpu.memory_space<hbm>> -> memref<1x8192xf32, #tpu.memory_space<hbm>>
      %dma_start3A_98 = tpu.memref_squeeze %dma_start3A_97 : memref<1x8192xf32, #tpu.memory_space<hbm>> -> memref<8192xf32, #tpu.memory_space<hbm>>
      tpu.enqueue_dma source(%arg8 : memref<8192xf32, #tpu.memory_space<vmem>>) target(%dma_start3A_98 : memref<8192xf32, #tpu.memory_space<hbm>>) target_semaphore(%arg16 : memref<!tpu.dma_semaphore, #tpu.memory_space<semaphore_mem>>)
      %add3A_99 = arith.constant 4 : i32
      %add3A_100 = arith.addi %add3A_77, %add3A_99 : i32
      %lt3A = arith.constant 128 : i32
      %lt3A_101 = arith.cmpi slt, %add3A_100, %lt3A : i32
      %convert_element_type3A_102 = arith.extui %lt3A_101 : i1 to i32
      %cond3A_103 = arith.constant 0 : i32
      %cond3A_104 = arith.cmpi ne, %convert_element_type3A_102, %cond3A_103 : i32
      scf.if %cond3A_104 {
        %add3A_210 = arith.constant 4 : i32
        %add3A_211 = arith.addi %add3A_78, %add3A_210 : i32
        %dma_start3A_212 = arith.constant 0 : i32
        %dma_start3A_213 = tpu.memref_slice %arg2[%add3A_211, %dma_start3A_212] : memref<4096x8192xf32, #tpu.memory_space<hbm>> -> memref<1x8192xf32, #tpu.memory_space<hbm>>
        %dma_start3A_214 = tpu.memref_squeeze %dma_start3A_213 : memref<1x8192xf32, #tpu.memory_space<hbm>> -> memref<8192xf32, #tpu.memory_space<hbm>>
        %dma_start3A_215 = arith.constant 0 : i32
        %dma_start3A_216 = tpu.memref_slice %arg2[%add3A_211, %dma_start3A_215] : memref<4096x8192xf32, #tpu.memory_space<hbm>> -> memref<1x8192xf32, #tpu.memory_space<hbm>>
        %dma_start3A_217 = tpu.memref_squeeze %dma_start3A_216 : memref<1x8192xf32, #tpu.memory_space<hbm>> -> memref<8192xf32, #tpu.memory_space<hbm>>
        tpu.enqueue_dma source(%dma_start3A_217 : memref<8192xf32, #tpu.memory_space<hbm>>) target(%arg4 : memref<8192xf32, #tpu.memory_space<vmem>>) target_semaphore(%arg12 : memref<!tpu.dma_semaphore, #tpu.memory_space<semaphore_mem>>)
      } else {
      }
      %mul3A_105 = arith.constant 4 : i32
      %mul3A_106 = arith.muli %mul3A_105, %scan3A_73 : i32
      %add3A_107 = arith.constant 1 : i32
      %add3A_108 = arith.addi %mul3A_106, %add3A_107 : i32
      %add3A_109 = arith.addi %mul3A_2, %add3A_108 : i32
      %dma_wait3A_110 = arith.constant 0 : i32
      %dma_wait3A_111 = tpu.memref_slice %arg2[%add3A_109, %dma_wait3A_110] : memref<4096x8192xf32, #tpu.memory_space<hbm>> -> memref<1x8192xf32, #tpu.memory_space<hbm>>
      %dma_wait3A_112 = tpu.memref_squeeze %dma_wait3A_111 : memref<1x8192xf32, #tpu.memory_space<hbm>> -> memref<8192xf32, #tpu.memory_space<hbm>>
      %dma_wait3A_113 = arith.constant 0 : i32
      %dma_wait3A_114 = tpu.memref_slice %arg2[%add3A_109, %dma_wait3A_113] : memref<4096x8192xf32, #tpu.memory_space<hbm>> -> memref<1x8192xf32, #tpu.memory_space<hbm>>
      %dma_wait3A_115 = tpu.memref_squeeze %dma_wait3A_114 : memref<1x8192xf32, #tpu.memory_space<hbm>> -> memref<8192xf32, #tpu.memory_space<hbm>>
      tpu.wait_dma2 semaphore(%arg13 : memref<!tpu.dma_semaphore, #tpu.memory_space<semaphore_mem>>) src(%dma_wait3A_115 : memref<8192xf32, #tpu.memory_space<hbm>>) dst(%arg5 : memref<8192xf32, #tpu.memory_space<vmem>>)
      %gt3A_116 = arith.constant 0 : i32
      %gt3A_117 = arith.cmpi sgt, %scan3A_73, %gt3A_116 : i32
      %convert_element_type3A_118 = arith.extui %gt3A_117 : i1 to i32
      %cond3A_119 = arith.constant 0 : i32
      %cond3A_120 = arith.cmpi ne, %convert_element_type3A_118, %cond3A_119 : i32
      scf.if %cond3A_120 {
        %dma_wait3A_210 = arith.constant 0 : i32
        %dma_wait3A_211 = tpu.memref_slice %arg3[%add3A_109, %dma_wait3A_210] : memref<4096x8192xf32, #tpu.memory_space<hbm>> -> memref<1x8192xf32, #tpu.memory_space<hbm>>
        %dma_wait3A_212 = tpu.memref_squeeze %dma_wait3A_211 : memref<1x8192xf32, #tpu.memory_space<hbm>> -> memref<8192xf32, #tpu.memory_space<hbm>>
        %dma_wait3A_213 = arith.constant 0 : i32
        %dma_wait3A_214 = tpu.memref_slice %arg3[%add3A_109, %dma_wait3A_213] : memref<4096x8192xf32, #tpu.memory_space<hbm>> -> memref<1x8192xf32, #tpu.memory_space<hbm>>
        %dma_wait3A_215 = tpu.memref_squeeze %dma_wait3A_214 : memref<1x8192xf32, #tpu.memory_space<hbm>> -> memref<8192xf32, #tpu.memory_space<hbm>>
        tpu.wait_dma2 semaphore(%arg17 : memref<!tpu.dma_semaphore, #tpu.memory_space<semaphore_mem>>) src(%arg9 : memref<8192xf32, #tpu.memory_space<vmem>>) dst(%dma_wait3A_215 : memref<8192xf32, #tpu.memory_space<hbm>>)
      } else {
      }
      %scan3A_121 = arith.constant 0 : i32
      %scan3A_122 = arith.constant 0 : i32
      %scan3A_123 = arith.constant 32 : i32
      %scan3A_124 = arith.addi %scan3A_122, %scan3A_123 : i32
      %scan3A_125 = arith.constant 1 : i32
      scf.for %scan3A_210 = %scan3A_122 to %scan3A_124 step %scan3A_125  : i32 {
        %mul3A_211 = arith.constant 256 : i32
        %mul3A_212 = arith.muli %scan3A_210, %mul3A_211 : i32
        %add3A_213 = arith.constant 0 : i32
        %add3A_214 = vector.broadcast %add3A_213 : i32 to vector<16xi32>
        %add3A_215 = arith.addi %mul3A_5, %add3A_214 : vector<16xi32>
        %gather3A = tpu.memref_slice %arg5[%mul3A_212] : memref<8192xf32, #tpu.memory_space<vmem>> -> memref<256xf32, #tpu.memory_space<vmem>>
        %gather3A_216 = tpu.vector_load_idx %gather3A[%add3A_215] : memref<256xf32, #tpu.memory_space<vmem>>[vector<16xi32>], vector<16xf32>,
        %abs3A = math.absf %gather3A_216 : vector<16xf32>
        %add3A_217 = arith.constant 1 : i32
        %add3A_218 = vector.broadcast %add3A_217 : i32 to vector<16xi32>
        %add3A_219 = arith.addi %mul3A_5, %add3A_218 : vector<16xi32>
        %gather3A_220 = tpu.memref_slice %arg5[%mul3A_212] : memref<8192xf32, #tpu.memory_space<vmem>> -> memref<256xf32, #tpu.memory_space<vmem>>
        %gather3A_221 = tpu.vector_load_idx %gather3A_220[%add3A_219] : memref<256xf32, #tpu.memory_space<vmem>>[vector<16xi32>], vector<16xf32>,
        %abs3A_222 = math.absf %gather3A_221 : vector<16xf32>
        %gt3A_223 = arith.cmpf ogt, %abs3A_222, %abs3A : vector<16xf32>
        %max3A = arith.maximumf %abs3A_222, %abs3A : vector<16xf32>
        %select_n3A = arith.select %gt3A_223, %gather3A_221, %gather3A_216 : vector<16xi1>, vector<16xf32>
        %select_n3A_224 = arith.select %gt3A_223, %add3A_219, %add3A_215 : vector<16xi1>, vector<16xi32>
        %add3A_225 = arith.constant 2 : i32
        %add3A_226 = vector.broadcast %add3A_225 : i32 to vector<16xi32>
        %add3A_227 = arith.addi %mul3A_5, %add3A_226 : vector<16xi32>
        %gather3A_228 = tpu.memref_slice %arg5[%mul3A_212] : memref<8192xf32, #tpu.memory_space<vmem>> -> memref<256xf32, #tpu.memory_space<vmem>>
        %gather3A_229 = tpu.vector_load_idx %gather3A_228[%add3A_227] : memref<256xf32, #tpu.memory_space<vmem>>[vector<16xi32>], vector<16xf32>,
        %abs3A_230 = math.absf %gather3A_229 : vector<16xf32>
        %gt3A_231 = arith.cmpf ogt, %abs3A_230, %max3A : vector<16xf32>
        %max3A_232 = arith.maximumf %abs3A_230, %max3A : vector<16xf32>
        %select_n3A_233 = arith.select %gt3A_231, %gather3A_229, %select_n3A : vector<16xi1>, vector<16xf32>
        %select_n3A_234 = arith.select %gt3A_231, %add3A_227, %select_n3A_224 : vector<16xi1>, vector<16xi32>
        %add3A_235 = arith.constant 3 : i32
        %add3A_236 = vector.broadcast %add3A_235 : i32 to vector<16xi32>
        %add3A_237 = arith.addi %mul3A_5, %add3A_236 : vector<16xi32>
        %gather3A_238 = tpu.memref_slice %arg5[%mul3A_212] : memref<8192xf32, #tpu.memory_space<vmem>> -> memref<256xf32, #tpu.memory_space<vmem>>
        %gather3A_239 = tpu.vector_load_idx %gather3A_238[%add3A_237] : memref<256xf32, #tpu.memory_space<vmem>>[vector<16xi32>], vector<16xf32>,
        %abs3A_240 = math.absf %gather3A_239 : vector<16xf32>
        %gt3A_241 = arith.cmpf ogt, %abs3A_240, %max3A_232 : vector<16xf32>
        %max3A_242 = arith.maximumf %abs3A_240, %max3A_232 : vector<16xf32>
        %select_n3A_243 = arith.select %gt3A_241, %gather3A_239, %select_n3A_233 : vector<16xi1>, vector<16xf32>
        %select_n3A_244 = arith.select %gt3A_241, %add3A_237, %select_n3A_234 : vector<16xi1>, vector<16xi32>
        %add3A_245 = arith.constant 4 : i32
        %add3A_246 = vector.broadcast %add3A_245 : i32 to vector<16xi32>
        %add3A_247 = arith.addi %mul3A_5, %add3A_246 : vector<16xi32>
        %gather3A_248 = tpu.memref_slice %arg5[%mul3A_212] : memref<8192xf32, #tpu.memory_space<vmem>> -> memref<256xf32, #tpu.memory_space<vmem>>
        %gather3A_249 = tpu.vector_load_idx %gather3A_248[%add3A_247] : memref<256xf32, #tpu.memory_space<vmem>>[vector<16xi32>], vector<16xf32>,
        %abs3A_250 = math.absf %gather3A_249 : vector<16xf32>
        %gt3A_251 = arith.cmpf ogt, %abs3A_250, %max3A_242 : vector<16xf32>
        %max3A_252 = arith.maximumf %abs3A_250, %max3A_242 : vector<16xf32>
        %select_n3A_253 = arith.select %gt3A_251, %gather3A_249, %select_n3A_243 : vector<16xi1>, vector<16xf32>
        %select_n3A_254 = arith.select %gt3A_251, %add3A_247, %select_n3A_244 : vector<16xi1>, vector<16xi32>
        %add3A_255 = arith.constant 5 : i32
        %add3A_256 = vector.broadcast %add3A_255 : i32 to vector<16xi32>
        %add3A_257 = arith.addi %mul3A_5, %add3A_256 : vector<16xi32>
        %gather3A_258 = tpu.memref_slice %arg5[%mul3A_212] : memref<8192xf32, #tpu.memory_space<vmem>> -> memref<256xf32, #tpu.memory_space<vmem>>
        %gather3A_259 = tpu.vector_load_idx %gather3A_258[%add3A_257] : memref<256xf32, #tpu.memory_space<vmem>>[vector<16xi32>], vector<16xf32>,
        %abs3A_260 = math.absf %gather3A_259 : vector<16xf32>
        %gt3A_261 = arith.cmpf ogt, %abs3A_260, %max3A_252 : vector<16xf32>
        %max3A_262 = arith.maximumf %abs3A_260, %max3A_252 : vector<16xf32>
        %select_n3A_263 = arith.select %gt3A_261, %gather3A_259, %select_n3A_253 : vector<16xi1>, vector<16xf32>
        %select_n3A_264 = arith.select %gt3A_261, %add3A_257, %select_n3A_254 : vector<16xi1>, vector<16xi32>
        %add3A_265 = arith.constant 6 : i32
        %add3A_266 = vector.broadcast %add3A_265 : i32 to vector<16xi32>
        %add3A_267 = arith.addi %mul3A_5, %add3A_266 : vector<16xi32>
        %gather3A_268 = tpu.memref_slice %arg5[%mul3A_212] : memref<8192xf32, #tpu.memory_space<vmem>> -> memref<256xf32, #tpu.memory_space<vmem>>
        %gather3A_269 = tpu.vector_load_idx %gather3A_268[%add3A_267] : memref<256xf32, #tpu.memory_space<vmem>>[vector<16xi32>], vector<16xf32>,
        %abs3A_270 = math.absf %gather3A_269 : vector<16xf32>
        %gt3A_271 = arith.cmpf ogt, %abs3A_270, %max3A_262 : vector<16xf32>
        %max3A_272 = arith.maximumf %abs3A_270, %max3A_262 : vector<16xf32>
        %select_n3A_273 = arith.select %gt3A_271, %gather3A_269, %select_n3A_263 : vector<16xi1>, vector<16xf32>
        %select_n3A_274 = arith.select %gt3A_271, %add3A_267, %select_n3A_264 : vector<16xi1>, vector<16xi32>
        %add3A_275 = arith.constant 7 : i32
        %add3A_276 = vector.broadcast %add3A_275 : i32 to vector<16xi32>
        %add3A_277 = arith.addi %mul3A_5, %add3A_276 : vector<16xi32>
        %gather3A_278 = tpu.memref_slice %arg5[%mul3A_212] : memref<8192xf32, #tpu.memory_space<vmem>> -> memref<256xf32, #tpu.memory_space<vmem>>
        %gather3A_279 = tpu.vector_load_idx %gather3A_278[%add3A_277] : memref<256xf32, #tpu.memory_space<vmem>>[vector<16xi32>], vector<16xf32>,
        %abs3A_280 = math.absf %gather3A_279 : vector<16xf32>
        %gt3A_281 = arith.cmpf ogt, %abs3A_280, %max3A_272 : vector<16xf32>
        %max3A_282 = arith.maximumf %abs3A_280, %max3A_272 : vector<16xf32>
        %select_n3A_283 = arith.select %gt3A_281, %gather3A_279, %select_n3A_273 : vector<16xi1>, vector<16xf32>
        %select_n3A_284 = arith.select %gt3A_281, %add3A_277, %select_n3A_274 : vector<16xi1>, vector<16xi32>
        %add3A_285 = arith.constant 8 : i32
        %add3A_286 = vector.broadcast %add3A_285 : i32 to vector<16xi32>
        %add3A_287 = arith.addi %mul3A_5, %add3A_286 : vector<16xi32>
        %gather3A_288 = tpu.memref_slice %arg5[%mul3A_212] : memref<8192xf32, #tpu.memory_space<vmem>> -> memref<256xf32, #tpu.memory_space<vmem>>
        %gather3A_289 = tpu.vector_load_idx %gather3A_288[%add3A_287] : memref<256xf32, #tpu.memory_space<vmem>>[vector<16xi32>], vector<16xf32>,
        %abs3A_290 = math.absf %gather3A_289 : vector<16xf32>
        %add3A_291 = arith.constant 9 : i32
        %add3A_292 = vector.broadcast %add3A_291 : i32 to vector<16xi32>
        %add3A_293 = arith.addi %mul3A_5, %add3A_292 : vector<16xi32>
        %gather3A_294 = tpu.memref_slice %arg5[%mul3A_212] : memref<8192xf32, #tpu.memory_space<vmem>> -> memref<256xf32, #tpu.memory_space<vmem>>
        %gather3A_295 = tpu.vector_load_idx %gather3A_294[%add3A_293] : memref<256xf32, #tpu.memory_space<vmem>>[vector<16xi32>], vector<16xf32>,
        %abs3A_296 = math.absf %gather3A_295 : vector<16xf32>
        %gt3A_297 = arith.cmpf ogt, %abs3A_296, %abs3A_290 : vector<16xf32>
        %max3A_298 = arith.maximumf %abs3A_296, %abs3A_290 : vector<16xf32>
        %select_n3A_299 = arith.select %gt3A_297, %gather3A_295, %gather3A_289 : vector<16xi1>, vector<16xf32>
        %select_n3A_300 = arith.select %gt3A_297, %add3A_293, %add3A_287 : vector<16xi1>, vector<16xi32>
        %add3A_301 = arith.constant 10 : i32
        %add3A_302 = vector.broadcast %add3A_301 : i32 to vector<16xi32>
        %add3A_303 = arith.addi %mul3A_5, %add3A_302 : vector<16xi32>
        %gather3A_304 = tpu.memref_slice %arg5[%mul3A_212] : memref<8192xf32, #tpu.memory_space<vmem>> -> memref<256xf32, #tpu.memory_space<vmem>>
        %gather3A_305 = tpu.vector_load_idx %gather3A_304[%add3A_303] : memref<256xf32, #tpu.memory_space<vmem>>[vector<16xi32>], vector<16xf32>,
        %abs3A_306 = math.absf %gather3A_305 : vector<16xf32>
        %gt3A_307 = arith.cmpf ogt, %abs3A_306, %max3A_298 : vector<16xf32>
        %max3A_308 = arith.maximumf %abs3A_306, %max3A_298 : vector<16xf32>
        %select_n3A_309 = arith.select %gt3A_307, %gather3A_305, %select_n3A_299 : vector<16xi1>, vector<16xf32>
        %select_n3A_310 = arith.select %gt3A_307, %add3A_303, %select_n3A_300 : vector<16xi1>, vector<16xi32>
        %add3A_311 = arith.constant 11 : i32
        %add3A_312 = vector.broadcast %add3A_311 : i32 to vector<16xi32>
        %add3A_313 = arith.addi %mul3A_5, %add3A_312 : vector<16xi32>
        %gather3A_314 = tpu.memref_slice %arg5[%mul3A_212] : memref<8192xf32, #tpu.memory_space<vmem>> -> memref<256xf32, #tpu.memory_space<vmem>>
        %gather3A_315 = tpu.vector_load_idx %gather3A_314[%add3A_313] : memref<256xf32, #tpu.memory_space<vmem>>[vector<16xi32>], vector<16xf32>,
        %abs3A_316 = math.absf %gather3A_315 : vector<16xf32>
        %gt3A_317 = arith.cmpf ogt, %abs3A_316, %max3A_308 : vector<16xf32>
        %max3A_318 = arith.maximumf %abs3A_316, %max3A_308 : vector<16xf32>
        %select_n3A_319 = arith.select %gt3A_317, %gather3A_315, %select_n3A_309 : vector<16xi1>, vector<16xf32>
        %select_n3A_320 = arith.select %gt3A_317, %add3A_313, %select_n3A_310 : vector<16xi1>, vector<16xi32>
        %add3A_321 = arith.constant 12 : i32
        %add3A_322 = vector.broadcast %add3A_321 : i32 to vector<16xi32>
        %add3A_323 = arith.addi %mul3A_5, %add3A_322 : vector<16xi32>
        %gather3A_324 = tpu.memref_slice %arg5[%mul3A_212] : memref<8192xf32, #tpu.memory_space<vmem>> -> memref<256xf32, #tpu.memory_space<vmem>>
        %gather3A_325 = tpu.vector_load_idx %gather3A_324[%add3A_323] : memref<256xf32, #tpu.memory_space<vmem>>[vector<16xi32>], vector<16xf32>,
        %abs3A_326 = math.absf %gather3A_325 : vector<16xf32>
        %gt3A_327 = arith.cmpf ogt, %abs3A_326, %max3A_318 : vector<16xf32>
        %max3A_328 = arith.maximumf %abs3A_326, %max3A_318 : vector<16xf32>
        %select_n3A_329 = arith.select %gt3A_327, %gather3A_325, %select_n3A_319 : vector<16xi1>, vector<16xf32>
        %select_n3A_330 = arith.select %gt3A_327, %add3A_323, %select_n3A_320 : vector<16xi1>, vector<16xi32>
        %add3A_331 = arith.constant 13 : i32
        %add3A_332 = vector.broadcast %add3A_331 : i32 to vector<16xi32>
        %add3A_333 = arith.addi %mul3A_5, %add3A_332 : vector<16xi32>
        %gather3A_334 = tpu.memref_slice %arg5[%mul3A_212] : memref<8192xf32, #tpu.memory_space<vmem>> -> memref<256xf32, #tpu.memory_space<vmem>>
        %gather3A_335 = tpu.vector_load_idx %gather3A_334[%add3A_333] : memref<256xf32, #tpu.memory_space<vmem>>[vector<16xi32>], vector<16xf32>,
        %abs3A_336 = math.absf %gather3A_335 : vector<16xf32>
        %gt3A_337 = arith.cmpf ogt, %abs3A_336, %max3A_328 : vector<16xf32>
        %max3A_338 = arith.maximumf %abs3A_336, %max3A_328 : vector<16xf32>
        %select_n3A_339 = arith.select %gt3A_337, %gather3A_335, %select_n3A_329 : vector<16xi1>, vector<16xf32>
        %select_n3A_340 = arith.select %gt3A_337, %add3A_333, %select_n3A_330 : vector<16xi1>, vector<16xi32>
        %add3A_341 = arith.constant 14 : i32
        %add3A_342 = vector.broadcast %add3A_341 : i32 to vector<16xi32>
        %add3A_343 = arith.addi %mul3A_5, %add3A_342 : vector<16xi32>
        %gather3A_344 = tpu.memref_slice %arg5[%mul3A_212] : memref<8192xf32, #tpu.memory_space<vmem>> -> memref<256xf32, #tpu.memory_space<vmem>>
        %gather3A_345 = tpu.vector_load_idx %gather3A_344[%add3A_343] : memref<256xf32, #tpu.memory_space<vmem>>[vector<16xi32>], vector<16xf32>,
        %abs3A_346 = math.absf %gather3A_345 : vector<16xf32>
        %gt3A_347 = arith.cmpf ogt, %abs3A_346, %max3A_338 : vector<16xf32>
        %max3A_348 = arith.maximumf %abs3A_346, %max3A_338 : vector<16xf32>
        %select_n3A_349 = arith.select %gt3A_347, %gather3A_345, %select_n3A_339 : vector<16xi1>, vector<16xf32>
        %select_n3A_350 = arith.select %gt3A_347, %add3A_343, %select_n3A_340 : vector<16xi1>, vector<16xi32>
        %add3A_351 = arith.constant 15 : i32
        %add3A_352 = vector.broadcast %add3A_351 : i32 to vector<16xi32>
        %add3A_353 = arith.addi %mul3A_5, %add3A_352 : vector<16xi32>
        %gather3A_354 = tpu.memref_slice %arg5[%mul3A_212] : memref<8192xf32, #tpu.memory_space<vmem>> -> memref<256xf32, #tpu.memory_space<vmem>>
        %gather3A_355 = tpu.vector_load_idx %gather3A_354[%add3A_353] : memref<256xf32, #tpu.memory_space<vmem>>[vector<16xi32>], vector<16xf32>,
        %abs3A_356 = math.absf %gather3A_355 : vector<16xf32>
        %gt3A_357 = arith.cmpf ogt, %abs3A_356, %max3A_348 : vector<16xf32>
        %max3A_358 = arith.maximumf %abs3A_356, %max3A_348 : vector<16xf32>
        %select_n3A_359 = arith.select %gt3A_357, %gather3A_355, %select_n3A_349 : vector<16xi1>, vector<16xf32>
        %select_n3A_360 = arith.select %gt3A_357, %add3A_353, %select_n3A_350 : vector<16xi1>, vector<16xi32>
        %gt3A_361 = arith.cmpf ogt, %max3A_358, %max3A_282 : vector<16xf32>
        %select_n3A_362 = arith.select %gt3A_361, %select_n3A_359, %select_n3A_283 : vector<16xi1>, vector<16xf32>
        %select_n3A_363 = arith.select %gt3A_361, %select_n3A_360, %select_n3A_284 : vector<16xi1>, vector<16xi32>
        %broadcast_in_dim3A = arith.constant 0.000000e+00 : f32
        %broadcast_in_dim3A_364 = vector.broadcast %broadcast_in_dim3A : f32 to vector<16xf32>
        %swap3A = tpu.memref_slice %arg9[%mul3A_212] : memref<8192xf32, #tpu.memory_space<vmem>> -> memref<256xf32, #tpu.memory_space<vmem>>
        %swap3A_365 = arith.constant 0 : index
        %swap3A_366 = tpu.vector_load %swap3A[%swap3A_365] {strides = array<i32>} : memref<256xf32, #tpu.memory_space<vmem>>, vector<16xf32>,
        tpu.vector_store %swap3A[%swap3A_365], %broadcast_in_dim3A_364 {strides = array<i32>} : memref<256xf32, #tpu.memory_space<vmem>>, vector<16xf32>,
        %swap3A_367 = tpu.memref_slice %arg9[%mul3A_212] : memref<8192xf32, #tpu.memory_space<vmem>> -> memref<256xf32, #tpu.memory_space<vmem>>
        %swap3A_368 = arith.constant 16 : index
        %swap3A_369 = tpu.vector_load %swap3A_367[%swap3A_368] {strides = array<i32>} : memref<256xf32, #tpu.memory_space<vmem>>, vector<16xf32>,
        tpu.vector_store %swap3A_367[%swap3A_368], %broadcast_in_dim3A_364 {strides = array<i32>} : memref<256xf32, #tpu.memory_space<vmem>>, vector<16xf32>,
        %swap3A_370 = tpu.memref_slice %arg9[%mul3A_212] : memref<8192xf32, #tpu.memory_space<vmem>> -> memref<256xf32, #tpu.memory_space<vmem>>
        %swap3A_371 = arith.constant 32 : index
        %swap3A_372 = tpu.vector_load %swap3A_370[%swap3A_371] {strides = array<i32>} : memref<256xf32, #tpu.memory_space<vmem>>, vector<16xf32>,
        tpu.vector_store %swap3A_370[%swap3A_371], %broadcast_in_dim3A_364 {strides = array<i32>} : memref<256xf32, #tpu.memory_space<vmem>>, vector<16xf32>,
        %swap3A_373 = tpu.memref_slice %arg9[%mul3A_212] : memref<8192xf32, #tpu.memory_space<vmem>> -> memref<256xf32, #tpu.memory_space<vmem>>
        %swap3A_374 = arith.constant 48 : index
        %swap3A_375 = tpu.vector_load %swap3A_373[%swap3A_374] {strides = array<i32>} : memref<256xf32, #tpu.memory_space<vmem>>, vector<16xf32>,
        tpu.vector_store %swap3A_373[%swap3A_374], %broadcast_in_dim3A_364 {strides = array<i32>} : memref<256xf32, #tpu.memory_space<vmem>>, vector<16xf32>,
        %swap3A_376 = tpu.memref_slice %arg9[%mul3A_212] : memref<8192xf32, #tpu.memory_space<vmem>> -> memref<256xf32, #tpu.memory_space<vmem>>
        %swap3A_377 = arith.constant 64 : index
        %swap3A_378 = tpu.vector_load %swap3A_376[%swap3A_377] {strides = array<i32>} : memref<256xf32, #tpu.memory_space<vmem>>, vector<16xf32>,
        tpu.vector_store %swap3A_376[%swap3A_377], %broadcast_in_dim3A_364 {strides = array<i32>} : memref<256xf32, #tpu.memory_space<vmem>>, vector<16xf32>,
        %swap3A_379 = tpu.memref_slice %arg9[%mul3A_212] : memref<8192xf32, #tpu.memory_space<vmem>> -> memref<256xf32, #tpu.memory_space<vmem>>
        %swap3A_380 = arith.constant 80 : index
        %swap3A_381 = tpu.vector_load %swap3A_379[%swap3A_380] {strides = array<i32>} : memref<256xf32, #tpu.memory_space<vmem>>, vector<16xf32>,
        tpu.vector_store %swap3A_379[%swap3A_380], %broadcast_in_dim3A_364 {strides = array<i32>} : memref<256xf32, #tpu.memory_space<vmem>>, vector<16xf32>,
        %swap3A_382 = tpu.memref_slice %arg9[%mul3A_212] : memref<8192xf32, #tpu.memory_space<vmem>> -> memref<256xf32, #tpu.memory_space<vmem>>
        %swap3A_383 = arith.constant 96 : index
        %swap3A_384 = tpu.vector_load %swap3A_382[%swap3A_383] {strides = array<i32>} : memref<256xf32, #tpu.memory_space<vmem>>, vector<16xf32>,
        tpu.vector_store %swap3A_382[%swap3A_383], %broadcast_in_dim3A_364 {strides = array<i32>} : memref<256xf32, #tpu.memory_space<vmem>>, vector<16xf32>,
        %swap3A_385 = tpu.memref_slice %arg9[%mul3A_212] : memref<8192xf32, #tpu.memory_space<vmem>> -> memref<256xf32, #tpu.memory_space<vmem>>
        %swap3A_386 = arith.constant 112 : index
        %swap3A_387 = tpu.vector_load %swap3A_385[%swap3A_386] {strides = array<i32>} : memref<256xf32, #tpu.memory_space<vmem>>, vector<16xf32>,
        tpu.vector_store %swap3A_385[%swap3A_386], %broadcast_in_dim3A_364 {strides = array<i32>} : memref<256xf32, #tpu.memory_space<vmem>>, vector<16xf32>,
        %swap3A_388 = tpu.memref_slice %arg9[%mul3A_212] : memref<8192xf32, #tpu.memory_space<vmem>> -> memref<256xf32, #tpu.memory_space<vmem>>
        %swap3A_389 = arith.constant 128 : index
        %swap3A_390 = tpu.vector_load %swap3A_388[%swap3A_389] {strides = array<i32>} : memref<256xf32, #tpu.memory_space<vmem>>, vector<16xf32>,
        tpu.vector_store %swap3A_388[%swap3A_389], %broadcast_in_dim3A_364 {strides = array<i32>} : memref<256xf32, #tpu.memory_space<vmem>>, vector<16xf32>,
        %swap3A_391 = tpu.memref_slice %arg9[%mul3A_212] : memref<8192xf32, #tpu.memory_space<vmem>> -> memref<256xf32, #tpu.memory_space<vmem>>
        %swap3A_392 = arith.constant 144 : index
        %swap3A_393 = tpu.vector_load %swap3A_391[%swap3A_392] {strides = array<i32>} : memref<256xf32, #tpu.memory_space<vmem>>, vector<16xf32>,
        tpu.vector_store %swap3A_391[%swap3A_392], %broadcast_in_dim3A_364 {strides = array<i32>} : memref<256xf32, #tpu.memory_space<vmem>>, vector<16xf32>,
        %swap3A_394 = tpu.memref_slice %arg9[%mul3A_212] : memref<8192xf32, #tpu.memory_space<vmem>> -> memref<256xf32, #tpu.memory_space<vmem>>
        %swap3A_395 = arith.constant 160 : index
        %swap3A_396 = tpu.vector_load %swap3A_394[%swap3A_395] {strides = array<i32>} : memref<256xf32, #tpu.memory_space<vmem>>, vector<16xf32>,
        tpu.vector_store %swap3A_394[%swap3A_395], %broadcast_in_dim3A_364 {strides = array<i32>} : memref<256xf32, #tpu.memory_space<vmem>>, vector<16xf32>,
        %swap3A_397 = tpu.memref_slice %arg9[%mul3A_212] : memref<8192xf32, #tpu.memory_space<vmem>> -> memref<256xf32, #tpu.memory_space<vmem>>
        %swap3A_398 = arith.constant 176 : index
        %swap3A_399 = tpu.vector_load %swap3A_397[%swap3A_398] {strides = array<i32>} : memref<256xf32, #tpu.memory_space<vmem>>, vector<16xf32>,
        tpu.vector_store %swap3A_397[%swap3A_398], %broadcast_in_dim3A_364 {strides = array<i32>} : memref<256xf32, #tpu.memory_space<vmem>>, vector<16xf32>,
        %swap3A_400 = tpu.memref_slice %arg9[%mul3A_212] : memref<8192xf32, #tpu.memory_space<vmem>> -> memref<256xf32, #tpu.memory_space<vmem>>
        %swap3A_401 = arith.constant 192 : index
        %swap3A_402 = tpu.vector_load %swap3A_400[%swap3A_401] {strides = array<i32>} : memref<256xf32, #tpu.memory_space<vmem>>, vector<16xf32>,
        tpu.vector_store %swap3A_400[%swap3A_401], %broadcast_in_dim3A_364 {strides = array<i32>} : memref<256xf32, #tpu.memory_space<vmem>>, vector<16xf32>,
        %swap3A_403 = tpu.memref_slice %arg9[%mul3A_212] : memref<8192xf32, #tpu.memory_space<vmem>> -> memref<256xf32, #tpu.memory_space<vmem>>
        %swap3A_404 = arith.constant 208 : index
        %swap3A_405 = tpu.vector_load %swap3A_403[%swap3A_404] {strides = array<i32>} : memref<256xf32, #tpu.memory_space<vmem>>, vector<16xf32>,
        tpu.vector_store %swap3A_403[%swap3A_404], %broadcast_in_dim3A_364 {strides = array<i32>} : memref<256xf32, #tpu.memory_space<vmem>>, vector<16xf32>,
        %swap3A_406 = tpu.memref_slice %arg9[%mul3A_212] : memref<8192xf32, #tpu.memory_space<vmem>> -> memref<256xf32, #tpu.memory_space<vmem>>
        %swap3A_407 = arith.constant 224 : index
        %swap3A_408 = tpu.vector_load %swap3A_406[%swap3A_407] {strides = array<i32>} : memref<256xf32, #tpu.memory_space<vmem>>, vector<16xf32>,
        tpu.vector_store %swap3A_406[%swap3A_407], %broadcast_in_dim3A_364 {strides = array<i32>} : memref<256xf32, #tpu.memory_space<vmem>>, vector<16xf32>,
        %swap3A_409 = tpu.memref_slice %arg9[%mul3A_212] : memref<8192xf32, #tpu.memory_space<vmem>> -> memref<256xf32, #tpu.memory_space<vmem>>
        %swap3A_410 = arith.constant 240 : index
        %swap3A_411 = tpu.vector_load %swap3A_409[%swap3A_410] {strides = array<i32>} : memref<256xf32, #tpu.memory_space<vmem>>, vector<16xf32>,
        tpu.vector_store %swap3A_409[%swap3A_410], %broadcast_in_dim3A_364 {strides = array<i32>} : memref<256xf32, #tpu.memory_space<vmem>>, vector<16xf32>,
        %scatter3A = tpu.memref_slice %arg9[%mul3A_212] : memref<8192xf32, #tpu.memory_space<vmem>> -> memref<256xf32, #tpu.memory_space<vmem>>
        tpu.vector_store_idx %scatter3A[%select_n3A_363], %select_n3A_362 : memref<256xf32, #tpu.memory_space<vmem>>[vector<16xi32>], vector<16xf32>,
      }
      %scan3A_126 = arith.constant 32 : i32
      %dma_start3A_127 = arith.constant 0 : i32
      %dma_start3A_128 = tpu.memref_slice %arg3[%add3A_109, %dma_start3A_127] : memref<4096x8192xf32, #tpu.memory_space<hbm>> -> memref<1x8192xf32, #tpu.memory_space<hbm>>
      %dma_start3A_129 = tpu.memref_squeeze %dma_start3A_128 : memref<1x8192xf32, #tpu.memory_space<hbm>> -> memref<8192xf32, #tpu.memory_space<hbm>>
      %dma_start3A_130 = arith.constant 0 : i32
      %dma_start3A_131 = tpu.memref_slice %arg3[%add3A_109, %dma_start3A_130] : memref<4096x8192xf32, #tpu.memory_space<hbm>> -> memref<1x8192xf32, #tpu.memory_space<hbm>>
      %dma_start3A_132 = tpu.memref_squeeze %dma_start3A_131 : memref<1x8192xf32, #tpu.memory_space<hbm>> -> memref<8192xf32, #tpu.memory_space<hbm>>
      tpu.enqueue_dma source(%arg9 : memref<8192xf32, #tpu.memory_space<vmem>>) target(%dma_start3A_132 : memref<8192xf32, #tpu.memory_space<hbm>>) target_semaphore(%arg17 : memref<!tpu.dma_semaphore, #tpu.memory_space<semaphore_mem>>)
      %add3A_133 = arith.constant 4 : i32
      %add3A_134 = arith.addi %add3A_108, %add3A_133 : i32
      %lt3A_135 = arith.constant 128 : i32
      %lt3A_136 = arith.cmpi slt, %add3A_134, %lt3A_135 : i32
      %convert_element_type3A_137 = arith.extui %lt3A_136 : i1 to i32
      %cond3A_138 = arith.constant 0 : i32
      %cond3A_139 = arith.cmpi ne, %convert_element_type3A_137, %cond3A_138 : i32
      scf.if %cond3A_139 {
        %add3A_210 = arith.constant 4 : i32
        %add3A_211 = arith.addi %add3A_109, %add3A_210 : i32
        %dma_start3A_212 = arith.constant 0 : i32
        %dma_start3A_213 = tpu.memref_slice %arg2[%add3A_211, %dma_start3A_212] : memref<4096x8192xf32, #tpu.memory_space<hbm>> -> memref<1x8192xf32, #tpu.memory_space<hbm>>
        %dma_start3A_214 = tpu.memref_squeeze %dma_start3A_213 : memref<1x8192xf32, #tpu.memory_space<hbm>> -> memref<8192xf32, #tpu.memory_space<hbm>>
        %dma_start3A_215 = arith.constant 0 : i32
        %dma_start3A_216 = tpu.memref_slice %arg2[%add3A_211, %dma_start3A_215] : memref<4096x8192xf32, #tpu.memory_space<hbm>> -> memref<1x8192xf32, #tpu.memory_space<hbm>>
        %dma_start3A_217 = tpu.memref_squeeze %dma_start3A_216 : memref<1x8192xf32, #tpu.memory_space<hbm>> -> memref<8192xf32, #tpu.memory_space<hbm>>
        tpu.enqueue_dma source(%dma_start3A_217 : memref<8192xf32, #tpu.memory_space<hbm>>) target(%arg5 : memref<8192xf32, #tpu.memory_space<vmem>>) target_semaphore(%arg13 : memref<!tpu.dma_semaphore, #tpu.memory_space<semaphore_mem>>)
      } else {
      }
      %mul3A_140 = arith.constant 4 : i32
      %mul3A_141 = arith.muli %mul3A_140, %scan3A_73 : i32
      %add3A_142 = arith.constant 2 : i32
      %add3A_143 = arith.addi %mul3A_141, %add3A_142 : i32
      %add3A_144 = arith.addi %mul3A_2, %add3A_143 : i32
      %dma_wait3A_145 = arith.constant 0 : i32
      %dma_wait3A_146 = tpu.memref_slice %arg2[%add3A_144, %dma_wait3A_145] : memref<4096x8192xf32, #tpu.memory_space<hbm>> -> memref<1x8192xf32, #tpu.memory_space<hbm>>
      %dma_wait3A_147 = tpu.memref_squeeze %dma_wait3A_146 : memref<1x8192xf32, #tpu.memory_space<hbm>> -> memref<8192xf32, #tpu.memory_space<hbm>>
      %dma_wait3A_148 = arith.constant 0 : i32
      %dma_wait3A_149 = tpu.memref_slice %arg2[%add3A_144, %dma_wait3A_148] : memref<4096x8192xf32, #tpu.memory_space<hbm>> -> memref<1x8192xf32, #tpu.memory_space<hbm>>
      %dma_wait3A_150 = tpu.memref_squeeze %dma_wait3A_149 : memref<1x8192xf32, #tpu.memory_space<hbm>> -> memref<8192xf32, #tpu.memory_space<hbm>>
      tpu.wait_dma2 semaphore(%arg14 : memref<!tpu.dma_semaphore, #tpu.memory_space<semaphore_mem>>) src(%dma_wait3A_150 : memref<8192xf32, #tpu.memory_space<hbm>>) dst(%arg6 : memref<8192xf32, #tpu.memory_space<vmem>>)
      %gt3A_151 = arith.constant 0 : i32
      %gt3A_152 = arith.cmpi sgt, %scan3A_73, %gt3A_151 : i32
      %convert_element_type3A_153 = arith.extui %gt3A_152 : i1 to i32
      %cond3A_154 = arith.constant 0 : i32
      %cond3A_155 = arith.cmpi ne, %convert_element_type3A_153, %cond3A_154 : i32
      scf.if %cond3A_155 {
        %dma_wait3A_210 = arith.constant 0 : i32
        %dma_wait3A_211 = tpu.memref_slice %arg3[%add3A_144, %dma_wait3A_210] : memref<4096x8192xf32, #tpu.memory_space<hbm>> -> memref<1x8192xf32, #tpu.memory_space<hbm>>
        %dma_wait3A_212 = tpu.memref_squeeze %dma_wait3A_211 : memref<1x8192xf32, #tpu.memory_space<hbm>> -> memref<8192xf32, #tpu.memory_space<hbm>>
        %dma_wait3A_213 = arith.constant 0 : i32
        %dma_wait3A_214 = tpu.memref_slice %arg3[%add3A_144, %dma_wait3A_213] : memref<4096x8192xf32, #tpu.memory_space<hbm>> -> memref<1x8192xf32, #tpu.memory_space<hbm>>
        %dma_wait3A_215 = tpu.memref_squeeze %dma_wait3A_214 : memref<1x8192xf32, #tpu.memory_space<hbm>> -> memref<8192xf32, #tpu.memory_space<hbm>>
        tpu.wait_dma2 semaphore(%arg18 : memref<!tpu.dma_semaphore, #tpu.memory_space<semaphore_mem>>) src(%arg10 : memref<8192xf32, #tpu.memory_space<vmem>>) dst(%dma_wait3A_215 : memref<8192xf32, #tpu.memory_space<hbm>>)
      } else {
      }
      %scan3A_156 = arith.constant 0 : i32
      %scan3A_157 = arith.constant 0 : i32
      %scan3A_158 = arith.constant 32 : i32
      %scan3A_159 = arith.addi %scan3A_157, %scan3A_158 : i32
      %scan3A_160 = arith.constant 1 : i32
      scf.for %scan3A_210 = %scan3A_157 to %scan3A_159 step %scan3A_160  : i32 {
        %mul3A_211 = arith.constant 256 : i32
        %mul3A_212 = arith.muli %scan3A_210, %mul3A_211 : i32
        %add3A_213 = arith.constant 0 : i32
        %add3A_214 = vector.broadcast %add3A_213 : i32 to vector<16xi32>
        %add3A_215 = arith.addi %mul3A_5, %add3A_214 : vector<16xi32>
        %gather3A = tpu.memref_slice %arg6[%mul3A_212] : memref<8192xf32, #tpu.memory_space<vmem>> -> memref<256xf32, #tpu.memory_space<vmem>>
        %gather3A_216 = tpu.vector_load_idx %gather3A[%add3A_215] : memref<256xf32, #tpu.memory_space<vmem>>[vector<16xi32>], vector<16xf32>,
        %abs3A = math.absf %gather3A_216 : vector<16xf32>
        %add3A_217 = arith.constant 1 : i32
        %add3A_218 = vector.broadcast %add3A_217 : i32 to vector<16xi32>
        %add3A_219 = arith.addi %mul3A_5, %add3A_218 : vector<16xi32>
        %gather3A_220 = tpu.memref_slice %arg6[%mul3A_212] : memref<8192xf32, #tpu.memory_space<vmem>> -> memref<256xf32, #tpu.memory_space<vmem>>
        %gather3A_221 = tpu.vector_load_idx %gather3A_220[%add3A_219] : memref<256xf32, #tpu.memory_space<vmem>>[vector<16xi32>], vector<16xf32>,
        %abs3A_222 = math.absf %gather3A_221 : vector<16xf32>
        %gt3A_223 = arith.cmpf ogt, %abs3A_222, %abs3A : vector<16xf32>
        %max3A = arith.maximumf %abs3A_222, %abs3A : vector<16xf32>
        %select_n3A = arith.select %gt3A_223, %gather3A_221, %gather3A_216 : vector<16xi1>, vector<16xf32>
        %select_n3A_224 = arith.select %gt3A_223, %add3A_219, %add3A_215 : vector<16xi1>, vector<16xi32>
        %add3A_225 = arith.constant 2 : i32
        %add3A_226 = vector.broadcast %add3A_225 : i32 to vector<16xi32>
        %add3A_227 = arith.addi %mul3A_5, %add3A_226 : vector<16xi32>
        %gather3A_228 = tpu.memref_slice %arg6[%mul3A_212] : memref<8192xf32, #tpu.memory_space<vmem>> -> memref<256xf32, #tpu.memory_space<vmem>>
        %gather3A_229 = tpu.vector_load_idx %gather3A_228[%add3A_227] : memref<256xf32, #tpu.memory_space<vmem>>[vector<16xi32>], vector<16xf32>,
        %abs3A_230 = math.absf %gather3A_229 : vector<16xf32>
        %gt3A_231 = arith.cmpf ogt, %abs3A_230, %max3A : vector<16xf32>
        %max3A_232 = arith.maximumf %abs3A_230, %max3A : vector<16xf32>
        %select_n3A_233 = arith.select %gt3A_231, %gather3A_229, %select_n3A : vector<16xi1>, vector<16xf32>
        %select_n3A_234 = arith.select %gt3A_231, %add3A_227, %select_n3A_224 : vector<16xi1>, vector<16xi32>
        %add3A_235 = arith.constant 3 : i32
        %add3A_236 = vector.broadcast %add3A_235 : i32 to vector<16xi32>
        %add3A_237 = arith.addi %mul3A_5, %add3A_236 : vector<16xi32>
        %gather3A_238 = tpu.memref_slice %arg6[%mul3A_212] : memref<8192xf32, #tpu.memory_space<vmem>> -> memref<256xf32, #tpu.memory_space<vmem>>
        %gather3A_239 = tpu.vector_load_idx %gather3A_238[%add3A_237] : memref<256xf32, #tpu.memory_space<vmem>>[vector<16xi32>], vector<16xf32>,
        %abs3A_240 = math.absf %gather3A_239 : vector<16xf32>
        %gt3A_241 = arith.cmpf ogt, %abs3A_240, %max3A_232 : vector<16xf32>
        %max3A_242 = arith.maximumf %abs3A_240, %max3A_232 : vector<16xf32>
        %select_n3A_243 = arith.select %gt3A_241, %gather3A_239, %select_n3A_233 : vector<16xi1>, vector<16xf32>
        %select_n3A_244 = arith.select %gt3A_241, %add3A_237, %select_n3A_234 : vector<16xi1>, vector<16xi32>
        %add3A_245 = arith.constant 4 : i32
        %add3A_246 = vector.broadcast %add3A_245 : i32 to vector<16xi32>
        %add3A_247 = arith.addi %mul3A_5, %add3A_246 : vector<16xi32>
        %gather3A_248 = tpu.memref_slice %arg6[%mul3A_212] : memref<8192xf32, #tpu.memory_space<vmem>> -> memref<256xf32, #tpu.memory_space<vmem>>
        %gather3A_249 = tpu.vector_load_idx %gather3A_248[%add3A_247] : memref<256xf32, #tpu.memory_space<vmem>>[vector<16xi32>], vector<16xf32>,
        %abs3A_250 = math.absf %gather3A_249 : vector<16xf32>
        %gt3A_251 = arith.cmpf ogt, %abs3A_250, %max3A_242 : vector<16xf32>
        %max3A_252 = arith.maximumf %abs3A_250, %max3A_242 : vector<16xf32>
        %select_n3A_253 = arith.select %gt3A_251, %gather3A_249, %select_n3A_243 : vector<16xi1>, vector<16xf32>
        %select_n3A_254 = arith.select %gt3A_251, %add3A_247, %select_n3A_244 : vector<16xi1>, vector<16xi32>
        %add3A_255 = arith.constant 5 : i32
        %add3A_256 = vector.broadcast %add3A_255 : i32 to vector<16xi32>
        %add3A_257 = arith.addi %mul3A_5, %add3A_256 : vector<16xi32>
        %gather3A_258 = tpu.memref_slice %arg6[%mul3A_212] : memref<8192xf32, #tpu.memory_space<vmem>> -> memref<256xf32, #tpu.memory_space<vmem>>
        %gather3A_259 = tpu.vector_load_idx %gather3A_258[%add3A_257] : memref<256xf32, #tpu.memory_space<vmem>>[vector<16xi32>], vector<16xf32>,
        %abs3A_260 = math.absf %gather3A_259 : vector<16xf32>
        %gt3A_261 = arith.cmpf ogt, %abs3A_260, %max3A_252 : vector<16xf32>
        %max3A_262 = arith.maximumf %abs3A_260, %max3A_252 : vector<16xf32>
        %select_n3A_263 = arith.select %gt3A_261, %gather3A_259, %select_n3A_253 : vector<16xi1>, vector<16xf32>
        %select_n3A_264 = arith.select %gt3A_261, %add3A_257, %select_n3A_254 : vector<16xi1>, vector<16xi32>
        %add3A_265 = arith.constant 6 : i32
        %add3A_266 = vector.broadcast %add3A_265 : i32 to vector<16xi32>
        %add3A_267 = arith.addi %mul3A_5, %add3A_266 : vector<16xi32>
        %gather3A_268 = tpu.memref_slice %arg6[%mul3A_212] : memref<8192xf32, #tpu.memory_space<vmem>> -> memref<256xf32, #tpu.memory_space<vmem>>
        %gather3A_269 = tpu.vector_load_idx %gather3A_268[%add3A_267] : memref<256xf32, #tpu.memory_space<vmem>>[vector<16xi32>], vector<16xf32>,
        %abs3A_270 = math.absf %gather3A_269 : vector<16xf32>
        %gt3A_271 = arith.cmpf ogt, %abs3A_270, %max3A_262 : vector<16xf32>
        %max3A_272 = arith.maximumf %abs3A_270, %max3A_262 : vector<16xf32>
        %select_n3A_273 = arith.select %gt3A_271, %gather3A_269, %select_n3A_263 : vector<16xi1>, vector<16xf32>
        %select_n3A_274 = arith.select %gt3A_271, %add3A_267, %select_n3A_264 : vector<16xi1>, vector<16xi32>
        %add3A_275 = arith.constant 7 : i32
        %add3A_276 = vector.broadcast %add3A_275 : i32 to vector<16xi32>
        %add3A_277 = arith.addi %mul3A_5, %add3A_276 : vector<16xi32>
        %gather3A_278 = tpu.memref_slice %arg6[%mul3A_212] : memref<8192xf32, #tpu.memory_space<vmem>> -> memref<256xf32, #tpu.memory_space<vmem>>
        %gather3A_279 = tpu.vector_load_idx %gather3A_278[%add3A_277] : memref<256xf32, #tpu.memory_space<vmem>>[vector<16xi32>], vector<16xf32>,
        %abs3A_280 = math.absf %gather3A_279 : vector<16xf32>
        %gt3A_281 = arith.cmpf ogt, %abs3A_280, %max3A_272 : vector<16xf32>
        %max3A_282 = arith.maximumf %abs3A_280, %max3A_272 : vector<16xf32>
        %select_n3A_283 = arith.select %gt3A_281, %gather3A_279, %select_n3A_273 : vector<16xi1>, vector<16xf32>
        %select_n3A_284 = arith.select %gt3A_281, %add3A_277, %select_n3A_274 : vector<16xi1>, vector<16xi32>
        %add3A_285 = arith.constant 8 : i32
        %add3A_286 = vector.broadcast %add3A_285 : i32 to vector<16xi32>
        %add3A_287 = arith.addi %mul3A_5, %add3A_286 : vector<16xi32>
        %gather3A_288 = tpu.memref_slice %arg6[%mul3A_212] : memref<8192xf32, #tpu.memory_space<vmem>> -> memref<256xf32, #tpu.memory_space<vmem>>
        %gather3A_289 = tpu.vector_load_idx %gather3A_288[%add3A_287] : memref<256xf32, #tpu.memory_space<vmem>>[vector<16xi32>], vector<16xf32>,
        %abs3A_290 = math.absf %gather3A_289 : vector<16xf32>
        %add3A_291 = arith.constant 9 : i32
        %add3A_292 = vector.broadcast %add3A_291 : i32 to vector<16xi32>
        %add3A_293 = arith.addi %mul3A_5, %add3A_292 : vector<16xi32>
        %gather3A_294 = tpu.memref_slice %arg6[%mul3A_212] : memref<8192xf32, #tpu.memory_space<vmem>> -> memref<256xf32, #tpu.memory_space<vmem>>
        %gather3A_295 = tpu.vector_load_idx %gather3A_294[%add3A_293] : memref<256xf32, #tpu.memory_space<vmem>>[vector<16xi32>], vector<16xf32>,
        %abs3A_296 = math.absf %gather3A_295 : vector<16xf32>
        %gt3A_297 = arith.cmpf ogt, %abs3A_296, %abs3A_290 : vector<16xf32>
        %max3A_298 = arith.maximumf %abs3A_296, %abs3A_290 : vector<16xf32>
        %select_n3A_299 = arith.select %gt3A_297, %gather3A_295, %gather3A_289 : vector<16xi1>, vector<16xf32>
        %select_n3A_300 = arith.select %gt3A_297, %add3A_293, %add3A_287 : vector<16xi1>, vector<16xi32>
        %add3A_301 = arith.constant 10 : i32
        %add3A_302 = vector.broadcast %add3A_301 : i32 to vector<16xi32>
        %add3A_303 = arith.addi %mul3A_5, %add3A_302 : vector<16xi32>
        %gather3A_304 = tpu.memref_slice %arg6[%mul3A_212] : memref<8192xf32, #tpu.memory_space<vmem>> -> memref<256xf32, #tpu.memory_space<vmem>>
        %gather3A_305 = tpu.vector_load_idx %gather3A_304[%add3A_303] : memref<256xf32, #tpu.memory_space<vmem>>[vector<16xi32>], vector<16xf32>,
        %abs3A_306 = math.absf %gather3A_305 : vector<16xf32>
        %gt3A_307 = arith.cmpf ogt, %abs3A_306, %max3A_298 : vector<16xf32>
        %max3A_308 = arith.maximumf %abs3A_306, %max3A_298 : vector<16xf32>
        %select_n3A_309 = arith.select %gt3A_307, %gather3A_305, %select_n3A_299 : vector<16xi1>, vector<16xf32>
        %select_n3A_310 = arith.select %gt3A_307, %add3A_303, %select_n3A_300 : vector<16xi1>, vector<16xi32>
        %add3A_311 = arith.constant 11 : i32
        %add3A_312 = vector.broadcast %add3A_311 : i32 to vector<16xi32>
        %add3A_313 = arith.addi %mul3A_5, %add3A_312 : vector<16xi32>
        %gather3A_314 = tpu.memref_slice %arg6[%mul3A_212] : memref<8192xf32, #tpu.memory_space<vmem>> -> memref<256xf32, #tpu.memory_space<vmem>>
        %gather3A_315 = tpu.vector_load_idx %gather3A_314[%add3A_313] : memref<256xf32, #tpu.memory_space<vmem>>[vector<16xi32>], vector<16xf32>,
        %abs3A_316 = math.absf %gather3A_315 : vector<16xf32>
        %gt3A_317 = arith.cmpf ogt, %abs3A_316, %max3A_308 : vector<16xf32>
        %max3A_318 = arith.maximumf %abs3A_316, %max3A_308 : vector<16xf32>
        %select_n3A_319 = arith.select %gt3A_317, %gather3A_315, %select_n3A_309 : vector<16xi1>, vector<16xf32>
        %select_n3A_320 = arith.select %gt3A_317, %add3A_313, %select_n3A_310 : vector<16xi1>, vector<16xi32>
        %add3A_321 = arith.constant 12 : i32
        %add3A_322 = vector.broadcast %add3A_321 : i32 to vector<16xi32>
        %add3A_323 = arith.addi %mul3A_5, %add3A_322 : vector<16xi32>
        %gather3A_324 = tpu.memref_slice %arg6[%mul3A_212] : memref<8192xf32, #tpu.memory_space<vmem>> -> memref<256xf32, #tpu.memory_space<vmem>>
        %gather3A_325 = tpu.vector_load_idx %gather3A_324[%add3A_323] : memref<256xf32, #tpu.memory_space<vmem>>[vector<16xi32>], vector<16xf32>,
        %abs3A_326 = math.absf %gather3A_325 : vector<16xf32>
        %gt3A_327 = arith.cmpf ogt, %abs3A_326, %max3A_318 : vector<16xf32>
        %max3A_328 = arith.maximumf %abs3A_326, %max3A_318 : vector<16xf32>
        %select_n3A_329 = arith.select %gt3A_327, %gather3A_325, %select_n3A_319 : vector<16xi1>, vector<16xf32>
        %select_n3A_330 = arith.select %gt3A_327, %add3A_323, %select_n3A_320 : vector<16xi1>, vector<16xi32>
        %add3A_331 = arith.constant 13 : i32
        %add3A_332 = vector.broadcast %add3A_331 : i32 to vector<16xi32>
        %add3A_333 = arith.addi %mul3A_5, %add3A_332 : vector<16xi32>
        %gather3A_334 = tpu.memref_slice %arg6[%mul3A_212] : memref<8192xf32, #tpu.memory_space<vmem>> -> memref<256xf32, #tpu.memory_space<vmem>>
        %gather3A_335 = tpu.vector_load_idx %gather3A_334[%add3A_333] : memref<256xf32, #tpu.memory_space<vmem>>[vector<16xi32>], vector<16xf32>,
        %abs3A_336 = math.absf %gather3A_335 : vector<16xf32>
        %gt3A_337 = arith.cmpf ogt, %abs3A_336, %max3A_328 : vector<16xf32>
        %max3A_338 = arith.maximumf %abs3A_336, %max3A_328 : vector<16xf32>
        %select_n3A_339 = arith.select %gt3A_337, %gather3A_335, %select_n3A_329 : vector<16xi1>, vector<16xf32>
        %select_n3A_340 = arith.select %gt3A_337, %add3A_333, %select_n3A_330 : vector<16xi1>, vector<16xi32>
        %add3A_341 = arith.constant 14 : i32
        %add3A_342 = vector.broadcast %add3A_341 : i32 to vector<16xi32>
        %add3A_343 = arith.addi %mul3A_5, %add3A_342 : vector<16xi32>
        %gather3A_344 = tpu.memref_slice %arg6[%mul3A_212] : memref<8192xf32, #tpu.memory_space<vmem>> -> memref<256xf32, #tpu.memory_space<vmem>>
        %gather3A_345 = tpu.vector_load_idx %gather3A_344[%add3A_343] : memref<256xf32, #tpu.memory_space<vmem>>[vector<16xi32>], vector<16xf32>,
        %abs3A_346 = math.absf %gather3A_345 : vector<16xf32>
        %gt3A_347 = arith.cmpf ogt, %abs3A_346, %max3A_338 : vector<16xf32>
        %max3A_348 = arith.maximumf %abs3A_346, %max3A_338 : vector<16xf32>
        %select_n3A_349 = arith.select %gt3A_347, %gather3A_345, %select_n3A_339 : vector<16xi1>, vector<16xf32>
        %select_n3A_350 = arith.select %gt3A_347, %add3A_343, %select_n3A_340 : vector<16xi1>, vector<16xi32>
        %add3A_351 = arith.constant 15 : i32
        %add3A_352 = vector.broadcast %add3A_351 : i32 to vector<16xi32>
        %add3A_353 = arith.addi %mul3A_5, %add3A_352 : vector<16xi32>
        %gather3A_354 = tpu.memref_slice %arg6[%mul3A_212] : memref<8192xf32, #tpu.memory_space<vmem>> -> memref<256xf32, #tpu.memory_space<vmem>>
        %gather3A_355 = tpu.vector_load_idx %gather3A_354[%add3A_353] : memref<256xf32, #tpu.memory_space<vmem>>[vector<16xi32>], vector<16xf32>,
        %abs3A_356 = math.absf %gather3A_355 : vector<16xf32>
        %gt3A_357 = arith.cmpf ogt, %abs3A_356, %max3A_348 : vector<16xf32>
        %max3A_358 = arith.maximumf %abs3A_356, %max3A_348 : vector<16xf32>
        %select_n3A_359 = arith.select %gt3A_357, %gather3A_355, %select_n3A_349 : vector<16xi1>, vector<16xf32>
        %select_n3A_360 = arith.select %gt3A_357, %add3A_353, %select_n3A_350 : vector<16xi1>, vector<16xi32>
        %gt3A_361 = arith.cmpf ogt, %max3A_358, %max3A_282 : vector<16xf32>
        %select_n3A_362 = arith.select %gt3A_361, %select_n3A_359, %select_n3A_283 : vector<16xi1>, vector<16xf32>
        %select_n3A_363 = arith.select %gt3A_361, %select_n3A_360, %select_n3A_284 : vector<16xi1>, vector<16xi32>
        %broadcast_in_dim3A = arith.constant 0.000000e+00 : f32
        %broadcast_in_dim3A_364 = vector.broadcast %broadcast_in_dim3A : f32 to vector<16xf32>
        %swap3A = tpu.memref_slice %arg10[%mul3A_212] : memref<8192xf32, #tpu.memory_space<vmem>> -> memref<256xf32, #tpu.memory_space<vmem>>
        %swap3A_365 = arith.constant 0 : index
        %swap3A_366 = tpu.vector_load %swap3A[%swap3A_365] {strides = array<i32>} : memref<256xf32, #tpu.memory_space<vmem>>, vector<16xf32>,
        tpu.vector_store %swap3A[%swap3A_365], %broadcast_in_dim3A_364 {strides = array<i32>} : memref<256xf32, #tpu.memory_space<vmem>>, vector<16xf32>,
        %swap3A_367 = tpu.memref_slice %arg10[%mul3A_212] : memref<8192xf32, #tpu.memory_space<vmem>> -> memref<256xf32, #tpu.memory_space<vmem>>
        %swap3A_368 = arith.constant 16 : index
        %swap3A_369 = tpu.vector_load %swap3A_367[%swap3A_368] {strides = array<i32>} : memref<256xf32, #tpu.memory_space<vmem>>, vector<16xf32>,
        tpu.vector_store %swap3A_367[%swap3A_368], %broadcast_in_dim3A_364 {strides = array<i32>} : memref<256xf32, #tpu.memory_space<vmem>>, vector<16xf32>,
        %swap3A_370 = tpu.memref_slice %arg10[%mul3A_212] : memref<8192xf32, #tpu.memory_space<vmem>> -> memref<256xf32, #tpu.memory_space<vmem>>
        %swap3A_371 = arith.constant 32 : index
        %swap3A_372 = tpu.vector_load %swap3A_370[%swap3A_371] {strides = array<i32>} : memref<256xf32, #tpu.memory_space<vmem>>, vector<16xf32>,
        tpu.vector_store %swap3A_370[%swap3A_371], %broadcast_in_dim3A_364 {strides = array<i32>} : memref<256xf32, #tpu.memory_space<vmem>>, vector<16xf32>,
        %swap3A_373 = tpu.memref_slice %arg10[%mul3A_212] : memref<8192xf32, #tpu.memory_space<vmem>> -> memref<256xf32, #tpu.memory_space<vmem>>
        %swap3A_374 = arith.constant 48 : index
        %swap3A_375 = tpu.vector_load %swap3A_373[%swap3A_374] {strides = array<i32>} : memref<256xf32, #tpu.memory_space<vmem>>, vector<16xf32>,
        tpu.vector_store %swap3A_373[%swap3A_374], %broadcast_in_dim3A_364 {strides = array<i32>} : memref<256xf32, #tpu.memory_space<vmem>>, vector<16xf32>,
        %swap3A_376 = tpu.memref_slice %arg10[%mul3A_212] : memref<8192xf32, #tpu.memory_space<vmem>> -> memref<256xf32, #tpu.memory_space<vmem>>
        %swap3A_377 = arith.constant 64 : index
        %swap3A_378 = tpu.vector_load %swap3A_376[%swap3A_377] {strides = array<i32>} : memref<256xf32, #tpu.memory_space<vmem>>, vector<16xf32>,
        tpu.vector_store %swap3A_376[%swap3A_377], %broadcast_in_dim3A_364 {strides = array<i32>} : memref<256xf32, #tpu.memory_space<vmem>>, vector<16xf32>,
        %swap3A_379 = tpu.memref_slice %arg10[%mul3A_212] : memref<8192xf32, #tpu.memory_space<vmem>> -> memref<256xf32, #tpu.memory_space<vmem>>
        %swap3A_380 = arith.constant 80 : index
        %swap3A_381 = tpu.vector_load %swap3A_379[%swap3A_380] {strides = array<i32>} : memref<256xf32, #tpu.memory_space<vmem>>, vector<16xf32>,
        tpu.vector_store %swap3A_379[%swap3A_380], %broadcast_in_dim3A_364 {strides = array<i32>} : memref<256xf32, #tpu.memory_space<vmem>>, vector<16xf32>,
        %swap3A_382 = tpu.memref_slice %arg10[%mul3A_212] : memref<8192xf32, #tpu.memory_space<vmem>> -> memref<256xf32, #tpu.memory_space<vmem>>
        %swap3A_383 = arith.constant 96 : index
        %swap3A_384 = tpu.vector_load %swap3A_382[%swap3A_383] {strides = array<i32>} : memref<256xf32, #tpu.memory_space<vmem>>, vector<16xf32>,
        tpu.vector_store %swap3A_382[%swap3A_383], %broadcast_in_dim3A_364 {strides = array<i32>} : memref<256xf32, #tpu.memory_space<vmem>>, vector<16xf32>,
        %swap3A_385 = tpu.memref_slice %arg10[%mul3A_212] : memref<8192xf32, #tpu.memory_space<vmem>> -> memref<256xf32, #tpu.memory_space<vmem>>
        %swap3A_386 = arith.constant 112 : index
        %swap3A_387 = tpu.vector_load %swap3A_385[%swap3A_386] {strides = array<i32>} : memref<256xf32, #tpu.memory_space<vmem>>, vector<16xf32>,
        tpu.vector_store %swap3A_385[%swap3A_386], %broadcast_in_dim3A_364 {strides = array<i32>} : memref<256xf32, #tpu.memory_space<vmem>>, vector<16xf32>,
        %swap3A_388 = tpu.memref_slice %arg10[%mul3A_212] : memref<8192xf32, #tpu.memory_space<vmem>> -> memref<256xf32, #tpu.memory_space<vmem>>
        %swap3A_389 = arith.constant 128 : index
        %swap3A_390 = tpu.vector_load %swap3A_388[%swap3A_389] {strides = array<i32>} : memref<256xf32, #tpu.memory_space<vmem>>, vector<16xf32>,
        tpu.vector_store %swap3A_388[%swap3A_389], %broadcast_in_dim3A_364 {strides = array<i32>} : memref<256xf32, #tpu.memory_space<vmem>>, vector<16xf32>,
        %swap3A_391 = tpu.memref_slice %arg10[%mul3A_212] : memref<8192xf32, #tpu.memory_space<vmem>> -> memref<256xf32, #tpu.memory_space<vmem>>
        %swap3A_392 = arith.constant 144 : index
        %swap3A_393 = tpu.vector_load %swap3A_391[%swap3A_392] {strides = array<i32>} : memref<256xf32, #tpu.memory_space<vmem>>, vector<16xf32>,
        tpu.vector_store %swap3A_391[%swap3A_392], %broadcast_in_dim3A_364 {strides = array<i32>} : memref<256xf32, #tpu.memory_space<vmem>>, vector<16xf32>,
        %swap3A_394 = tpu.memref_slice %arg10[%mul3A_212] : memref<8192xf32, #tpu.memory_space<vmem>> -> memref<256xf32, #tpu.memory_space<vmem>>
        %swap3A_395 = arith.constant 160 : index
        %swap3A_396 = tpu.vector_load %swap3A_394[%swap3A_395] {strides = array<i32>} : memref<256xf32, #tpu.memory_space<vmem>>, vector<16xf32>,
        tpu.vector_store %swap3A_394[%swap3A_395], %broadcast_in_dim3A_364 {strides = array<i32>} : memref<256xf32, #tpu.memory_space<vmem>>, vector<16xf32>,
        %swap3A_397 = tpu.memref_slice %arg10[%mul3A_212] : memref<8192xf32, #tpu.memory_space<vmem>> -> memref<256xf32, #tpu.memory_space<vmem>>
        %swap3A_398 = arith.constant 176 : index
        %swap3A_399 = tpu.vector_load %swap3A_397[%swap3A_398] {strides = array<i32>} : memref<256xf32, #tpu.memory_space<vmem>>, vector<16xf32>,
        tpu.vector_store %swap3A_397[%swap3A_398], %broadcast_in_dim3A_364 {strides = array<i32>} : memref<256xf32, #tpu.memory_space<vmem>>, vector<16xf32>,
        %swap3A_400 = tpu.memref_slice %arg10[%mul3A_212] : memref<8192xf32, #tpu.memory_space<vmem>> -> memref<256xf32, #tpu.memory_space<vmem>>
        %swap3A_401 = arith.constant 192 : index
        %swap3A_402 = tpu.vector_load %swap3A_400[%swap3A_401] {strides = array<i32>} : memref<256xf32, #tpu.memory_space<vmem>>, vector<16xf32>,
        tpu.vector_store %swap3A_400[%swap3A_401], %broadcast_in_dim3A_364 {strides = array<i32>} : memref<256xf32, #tpu.memory_space<vmem>>, vector<16xf32>,
        %swap3A_403 = tpu.memref_slice %arg10[%mul3A_212] : memref<8192xf32, #tpu.memory_space<vmem>> -> memref<256xf32, #tpu.memory_space<vmem>>
        %swap3A_404 = arith.constant 208 : index
        %swap3A_405 = tpu.vector_load %swap3A_403[%swap3A_404] {strides = array<i32>} : memref<256xf32, #tpu.memory_space<vmem>>, vector<16xf32>,
        tpu.vector_store %swap3A_403[%swap3A_404], %broadcast_in_dim3A_364 {strides = array<i32>} : memref<256xf32, #tpu.memory_space<vmem>>, vector<16xf32>,
        %swap3A_406 = tpu.memref_slice %arg10[%mul3A_212] : memref<8192xf32, #tpu.memory_space<vmem>> -> memref<256xf32, #tpu.memory_space<vmem>>
        %swap3A_407 = arith.constant 224 : index
        %swap3A_408 = tpu.vector_load %swap3A_406[%swap3A_407] {strides = array<i32>} : memref<256xf32, #tpu.memory_space<vmem>>, vector<16xf32>,
        tpu.vector_store %swap3A_406[%swap3A_407], %broadcast_in_dim3A_364 {strides = array<i32>} : memref<256xf32, #tpu.memory_space<vmem>>, vector<16xf32>,
        %swap3A_409 = tpu.memref_slice %arg10[%mul3A_212] : memref<8192xf32, #tpu.memory_space<vmem>> -> memref<256xf32, #tpu.memory_space<vmem>>
        %swap3A_410 = arith.constant 240 : index
        %swap3A_411 = tpu.vector_load %swap3A_409[%swap3A_410] {strides = array<i32>} : memref<256xf32, #tpu.memory_space<vmem>>, vector<16xf32>,
        tpu.vector_store %swap3A_409[%swap3A_410], %broadcast_in_dim3A_364 {strides = array<i32>} : memref<256xf32, #tpu.memory_space<vmem>>, vector<16xf32>,
        %scatter3A = tpu.memref_slice %arg10[%mul3A_212] : memref<8192xf32, #tpu.memory_space<vmem>> -> memref<256xf32, #tpu.memory_space<vmem>>
        tpu.vector_store_idx %scatter3A[%select_n3A_363], %select_n3A_362 : memref<256xf32, #tpu.memory_space<vmem>>[vector<16xi32>], vector<16xf32>,
      }
      %scan3A_161 = arith.constant 32 : i32
      %dma_start3A_162 = arith.constant 0 : i32
      %dma_start3A_163 = tpu.memref_slice %arg3[%add3A_144, %dma_start3A_162] : memref<4096x8192xf32, #tpu.memory_space<hbm>> -> memref<1x8192xf32, #tpu.memory_space<hbm>>
      %dma_start3A_164 = tpu.memref_squeeze %dma_start3A_163 : memref<1x8192xf32, #tpu.memory_space<hbm>> -> memref<8192xf32, #tpu.memory_space<hbm>>
      %dma_start3A_165 = arith.constant 0 : i32
      %dma_start3A_166 = tpu.memref_slice %arg3[%add3A_144, %dma_start3A_165] : memref<4096x8192xf32, #tpu.memory_space<hbm>> -> memref<1x8192xf32, #tpu.memory_space<hbm>>
      %dma_start3A_167 = tpu.memref_squeeze %dma_start3A_166 : memref<1x8192xf32, #tpu.memory_space<hbm>> -> memref<8192xf32, #tpu.memory_space<hbm>>
      tpu.enqueue_dma source(%arg10 : memref<8192xf32, #tpu.memory_space<vmem>>) target(%dma_start3A_167 : memref<8192xf32, #tpu.memory_space<hbm>>) target_semaphore(%arg18 : memref<!tpu.dma_semaphore, #tpu.memory_space<semaphore_mem>>)
      %add3A_168 = arith.constant 4 : i32
      %add3A_169 = arith.addi %add3A_143, %add3A_168 : i32
      %lt3A_170 = arith.constant 128 : i32
      %lt3A_171 = arith.cmpi slt, %add3A_169, %lt3A_170 : i32
      %convert_element_type3A_172 = arith.extui %lt3A_171 : i1 to i32
      %cond3A_173 = arith.constant 0 : i32
      %cond3A_174 = arith.cmpi ne, %convert_element_type3A_172, %cond3A_173 : i32
      scf.if %cond3A_174 {
        %add3A_210 = arith.constant 4 : i32
        %add3A_211 = arith.addi %add3A_144, %add3A_210 : i32
        %dma_start3A_212 = arith.constant 0 : i32
        %dma_start3A_213 = tpu.memref_slice %arg2[%add3A_211, %dma_start3A_212] : memref<4096x8192xf32, #tpu.memory_space<hbm>> -> memref<1x8192xf32, #tpu.memory_space<hbm>>
        %dma_start3A_214 = tpu.memref_squeeze %dma_start3A_213 : memref<1x8192xf32, #tpu.memory_space<hbm>> -> memref<8192xf32, #tpu.memory_space<hbm>>
        %dma_start3A_215 = arith.constant 0 : i32
        %dma_start3A_216 = tpu.memref_slice %arg2[%add3A_211, %dma_start3A_215] : memref<4096x8192xf32, #tpu.memory_space<hbm>> -> memref<1x8192xf32, #tpu.memory_space<hbm>>
        %dma_start3A_217 = tpu.memref_squeeze %dma_start3A_216 : memref<1x8192xf32, #tpu.memory_space<hbm>> -> memref<8192xf32, #tpu.memory_space<hbm>>
        tpu.enqueue_dma source(%dma_start3A_217 : memref<8192xf32, #tpu.memory_space<hbm>>) target(%arg6 : memref<8192xf32, #tpu.memory_space<vmem>>) target_semaphore(%arg14 : memref<!tpu.dma_semaphore, #tpu.memory_space<semaphore_mem>>)
      } else {
      }
      %mul3A_175 = arith.constant 4 : i32
      %mul3A_176 = arith.muli %mul3A_175, %scan3A_73 : i32
      %add3A_177 = arith.constant 3 : i32
      %add3A_178 = arith.addi %mul3A_176, %add3A_177 : i32
      %add3A_179 = arith.addi %mul3A_2, %add3A_178 : i32
      %dma_wait3A_180 = arith.constant 0 : i32
      %dma_wait3A_181 = tpu.memref_slice %arg2[%add3A_179, %dma_wait3A_180] : memref<4096x8192xf32, #tpu.memory_space<hbm>> -> memref<1x8192xf32, #tpu.memory_space<hbm>>
      %dma_wait3A_182 = tpu.memref_squeeze %dma_wait3A_181 : memref<1x8192xf32, #tpu.memory_space<hbm>> -> memref<8192xf32, #tpu.memory_space<hbm>>
      %dma_wait3A_183 = arith.constant 0 : i32
      %dma_wait3A_184 = tpu.memref_slice %arg2[%add3A_179, %dma_wait3A_183] : memref<4096x8192xf32, #tpu.memory_space<hbm>> -> memref<1x8192xf32, #tpu.memory_space<hbm>>
      %dma_wait3A_185 = tpu.memref_squeeze %dma_wait3A_184 : memref<1x8192xf32, #tpu.memory_space<hbm>> -> memref<8192xf32, #tpu.memory_space<hbm>>
      tpu.wait_dma2 semaphore(%arg15 : memref<!tpu.dma_semaphore, #tpu.memory_space<semaphore_mem>>) src(%dma_wait3A_185 : memref<8192xf32, #tpu.memory_space<hbm>>) dst(%arg7 : memref<8192xf32, #tpu.memory_space<vmem>>)
      %gt3A_186 = arith.constant 0 : i32
      %gt3A_187 = arith.cmpi sgt, %scan3A_73, %gt3A_186 : i32
      %convert_element_type3A_188 = arith.extui %gt3A_187 : i1 to i32
      %cond3A_189 = arith.constant 0 : i32
      %cond3A_190 = arith.cmpi ne, %convert_element_type3A_188, %cond3A_189 : i32
      scf.if %cond3A_190 {
        %dma_wait3A_210 = arith.constant 0 : i32
        %dma_wait3A_211 = tpu.memref_slice %arg3[%add3A_179, %dma_wait3A_210] : memref<4096x8192xf32, #tpu.memory_space<hbm>> -> memref<1x8192xf32, #tpu.memory_space<hbm>>
        %dma_wait3A_212 = tpu.memref_squeeze %dma_wait3A_211 : memref<1x8192xf32, #tpu.memory_space<hbm>> -> memref<8192xf32, #tpu.memory_space<hbm>>
        %dma_wait3A_213 = arith.constant 0 : i32
        %dma_wait3A_214 = tpu.memref_slice %arg3[%add3A_179, %dma_wait3A_213] : memref<4096x8192xf32, #tpu.memory_space<hbm>> -> memref<1x8192xf32, #tpu.memory_space<hbm>>
        %dma_wait3A_215 = tpu.memref_squeeze %dma_wait3A_214 : memref<1x8192xf32, #tpu.memory_space<hbm>> -> memref<8192xf32, #tpu.memory_space<hbm>>
        tpu.wait_dma2 semaphore(%arg19 : memref<!tpu.dma_semaphore, #tpu.memory_space<semaphore_mem>>) src(%arg11 : memref<8192xf32, #tpu.memory_space<vmem>>) dst(%dma_wait3A_215 : memref<8192xf32, #tpu.memory_space<hbm>>)
      } else {
      }
      %scan3A_191 = arith.constant 0 : i32
      %scan3A_192 = arith.constant 0 : i32
      %scan3A_193 = arith.constant 32 : i32
      %scan3A_194 = arith.addi %scan3A_192, %scan3A_193 : i32
      %scan3A_195 = arith.constant 1 : i32
      scf.for %scan3A_210 = %scan3A_192 to %scan3A_194 step %scan3A_195  : i32 {
        %mul3A_211 = arith.constant 256 : i32
        %mul3A_212 = arith.muli %scan3A_210, %mul3A_211 : i32
        %add3A_213 = arith.constant 0 : i32
        %add3A_214 = vector.broadcast %add3A_213 : i32 to vector<16xi32>
        %add3A_215 = arith.addi %mul3A_5, %add3A_214 : vector<16xi32>
        %gather3A = tpu.memref_slice %arg7[%mul3A_212] : memref<8192xf32, #tpu.memory_space<vmem>> -> memref<256xf32, #tpu.memory_space<vmem>>
        %gather3A_216 = tpu.vector_load_idx %gather3A[%add3A_215] : memref<256xf32, #tpu.memory_space<vmem>>[vector<16xi32>], vector<16xf32>,
        %abs3A = math.absf %gather3A_216 : vector<16xf32>
        %add3A_217 = arith.constant 1 : i32
        %add3A_218 = vector.broadcast %add3A_217 : i32 to vector<16xi32>
        %add3A_219 = arith.addi %mul3A_5, %add3A_218 : vector<16xi32>
        %gather3A_220 = tpu.memref_slice %arg7[%mul3A_212] : memref<8192xf32, #tpu.memory_space<vmem>> -> memref<256xf32, #tpu.memory_space<vmem>>
        %gather3A_221 = tpu.vector_load_idx %gather3A_220[%add3A_219] : memref<256xf32, #tpu.memory_space<vmem>>[vector<16xi32>], vector<16xf32>,
        %abs3A_222 = math.absf %gather3A_221 : vector<16xf32>
        %gt3A_223 = arith.cmpf ogt, %abs3A_222, %abs3A : vector<16xf32>
        %max3A = arith.maximumf %abs3A_222, %abs3A : vector<16xf32>
        %select_n3A = arith.select %gt3A_223, %gather3A_221, %gather3A_216 : vector<16xi1>, vector<16xf32>
        %select_n3A_224 = arith.select %gt3A_223, %add3A_219, %add3A_215 : vector<16xi1>, vector<16xi32>
        %add3A_225 = arith.constant 2 : i32
        %add3A_226 = vector.broadcast %add3A_225 : i32 to vector<16xi32>
        %add3A_227 = arith.addi %mul3A_5, %add3A_226 : vector<16xi32>
        %gather3A_228 = tpu.memref_slice %arg7[%mul3A_212] : memref<8192xf32, #tpu.memory_space<vmem>> -> memref<256xf32, #tpu.memory_space<vmem>>
        %gather3A_229 = tpu.vector_load_idx %gather3A_228[%add3A_227] : memref<256xf32, #tpu.memory_space<vmem>>[vector<16xi32>], vector<16xf32>,
        %abs3A_230 = math.absf %gather3A_229 : vector<16xf32>
        %gt3A_231 = arith.cmpf ogt, %abs3A_230, %max3A : vector<16xf32>
        %max3A_232 = arith.maximumf %abs3A_230, %max3A : vector<16xf32>
        %select_n3A_233 = arith.select %gt3A_231, %gather3A_229, %select_n3A : vector<16xi1>, vector<16xf32>
        %select_n3A_234 = arith.select %gt3A_231, %add3A_227, %select_n3A_224 : vector<16xi1>, vector<16xi32>
        %add3A_235 = arith.constant 3 : i32
        %add3A_236 = vector.broadcast %add3A_235 : i32 to vector<16xi32>
        %add3A_237 = arith.addi %mul3A_5, %add3A_236 : vector<16xi32>
        %gather3A_238 = tpu.memref_slice %arg7[%mul3A_212] : memref<8192xf32, #tpu.memory_space<vmem>> -> memref<256xf32, #tpu.memory_space<vmem>>
        %gather3A_239 = tpu.vector_load_idx %gather3A_238[%add3A_237] : memref<256xf32, #tpu.memory_space<vmem>>[vector<16xi32>], vector<16xf32>,
        %abs3A_240 = math.absf %gather3A_239 : vector<16xf32>
        %gt3A_241 = arith.cmpf ogt, %abs3A_240, %max3A_232 : vector<16xf32>
        %max3A_242 = arith.maximumf %abs3A_240, %max3A_232 : vector<16xf32>
        %select_n3A_243 = arith.select %gt3A_241, %gather3A_239, %select_n3A_233 : vector<16xi1>, vector<16xf32>
        %select_n3A_244 = arith.select %gt3A_241, %add3A_237, %select_n3A_234 : vector<16xi1>, vector<16xi32>
        %add3A_245 = arith.constant 4 : i32
        %add3A_246 = vector.broadcast %add3A_245 : i32 to vector<16xi32>
        %add3A_247 = arith.addi %mul3A_5, %add3A_246 : vector<16xi32>
        %gather3A_248 = tpu.memref_slice %arg7[%mul3A_212] : memref<8192xf32, #tpu.memory_space<vmem>> -> memref<256xf32, #tpu.memory_space<vmem>>
        %gather3A_249 = tpu.vector_load_idx %gather3A_248[%add3A_247] : memref<256xf32, #tpu.memory_space<vmem>>[vector<16xi32>], vector<16xf32>,
        %abs3A_250 = math.absf %gather3A_249 : vector<16xf32>
        %gt3A_251 = arith.cmpf ogt, %abs3A_250, %max3A_242 : vector<16xf32>
        %max3A_252 = arith.maximumf %abs3A_250, %max3A_242 : vector<16xf32>
        %select_n3A_253 = arith.select %gt3A_251, %gather3A_249, %select_n3A_243 : vector<16xi1>, vector<16xf32>
        %select_n3A_254 = arith.select %gt3A_251, %add3A_247, %select_n3A_244 : vector<16xi1>, vector<16xi32>
        %add3A_255 = arith.constant 5 : i32
        %add3A_256 = vector.broadcast %add3A_255 : i32 to vector<16xi32>
        %add3A_257 = arith.addi %mul3A_5, %add3A_256 : vector<16xi32>
        %gather3A_258 = tpu.memref_slice %arg7[%mul3A_212] : memref<8192xf32, #tpu.memory_space<vmem>> -> memref<256xf32, #tpu.memory_space<vmem>>
        %gather3A_259 = tpu.vector_load_idx %gather3A_258[%add3A_257] : memref<256xf32, #tpu.memory_space<vmem>>[vector<16xi32>], vector<16xf32>,
        %abs3A_260 = math.absf %gather3A_259 : vector<16xf32>
        %gt3A_261 = arith.cmpf ogt, %abs3A_260, %max3A_252 : vector<16xf32>
        %max3A_262 = arith.maximumf %abs3A_260, %max3A_252 : vector<16xf32>
        %select_n3A_263 = arith.select %gt3A_261, %gather3A_259, %select_n3A_253 : vector<16xi1>, vector<16xf32>
        %select_n3A_264 = arith.select %gt3A_261, %add3A_257, %select_n3A_254 : vector<16xi1>, vector<16xi32>
        %add3A_265 = arith.constant 6 : i32
        %add3A_266 = vector.broadcast %add3A_265 : i32 to vector<16xi32>
        %add3A_267 = arith.addi %mul3A_5, %add3A_266 : vector<16xi32>
        %gather3A_268 = tpu.memref_slice %arg7[%mul3A_212] : memref<8192xf32, #tpu.memory_space<vmem>> -> memref<256xf32, #tpu.memory_space<vmem>>
        %gather3A_269 = tpu.vector_load_idx %gather3A_268[%add3A_267] : memref<256xf32, #tpu.memory_space<vmem>>[vector<16xi32>], vector<16xf32>,
        %abs3A_270 = math.absf %gather3A_269 : vector<16xf32>
        %gt3A_271 = arith.cmpf ogt, %abs3A_270, %max3A_262 : vector<16xf32>
        %max3A_272 = arith.maximumf %abs3A_270, %max3A_262 : vector<16xf32>
        %select_n3A_273 = arith.select %gt3A_271, %gather3A_269, %select_n3A_263 : vector<16xi1>, vector<16xf32>
        %select_n3A_274 = arith.select %gt3A_271, %add3A_267, %select_n3A_264 : vector<16xi1>, vector<16xi32>
        %add3A_275 = arith.constant 7 : i32
        %add3A_276 = vector.broadcast %add3A_275 : i32 to vector<16xi32>
        %add3A_277 = arith.addi %mul3A_5, %add3A_276 : vector<16xi32>
        %gather3A_278 = tpu.memref_slice %arg7[%mul3A_212] : memref<8192xf32, #tpu.memory_space<vmem>> -> memref<256xf32, #tpu.memory_space<vmem>>
        %gather3A_279 = tpu.vector_load_idx %gather3A_278[%add3A_277] : memref<256xf32, #tpu.memory_space<vmem>>[vector<16xi32>], vector<16xf32>,
        %abs3A_280 = math.absf %gather3A_279 : vector<16xf32>
        %gt3A_281 = arith.cmpf ogt, %abs3A_280, %max3A_272 : vector<16xf32>
        %max3A_282 = arith.maximumf %abs3A_280, %max3A_272 : vector<16xf32>
        %select_n3A_283 = arith.select %gt3A_281, %gather3A_279, %select_n3A_273 : vector<16xi1>, vector<16xf32>
        %select_n3A_284 = arith.select %gt3A_281, %add3A_277, %select_n3A_274 : vector<16xi1>, vector<16xi32>
        %add3A_285 = arith.constant 8 : i32
        %add3A_286 = vector.broadcast %add3A_285 : i32 to vector<16xi32>
        %add3A_287 = arith.addi %mul3A_5, %add3A_286 : vector<16xi32>
        %gather3A_288 = tpu.memref_slice %arg7[%mul3A_212] : memref<8192xf32, #tpu.memory_space<vmem>> -> memref<256xf32, #tpu.memory_space<vmem>>
        %gather3A_289 = tpu.vector_load_idx %gather3A_288[%add3A_287] : memref<256xf32, #tpu.memory_space<vmem>>[vector<16xi32>], vector<16xf32>,
        %abs3A_290 = math.absf %gather3A_289 : vector<16xf32>
        %add3A_291 = arith.constant 9 : i32
        %add3A_292 = vector.broadcast %add3A_291 : i32 to vector<16xi32>
        %add3A_293 = arith.addi %mul3A_5, %add3A_292 : vector<16xi32>
        %gather3A_294 = tpu.memref_slice %arg7[%mul3A_212] : memref<8192xf32, #tpu.memory_space<vmem>> -> memref<256xf32, #tpu.memory_space<vmem>>
        %gather3A_295 = tpu.vector_load_idx %gather3A_294[%add3A_293] : memref<256xf32, #tpu.memory_space<vmem>>[vector<16xi32>], vector<16xf32>,
        %abs3A_296 = math.absf %gather3A_295 : vector<16xf32>
        %gt3A_297 = arith.cmpf ogt, %abs3A_296, %abs3A_290 : vector<16xf32>
        %max3A_298 = arith.maximumf %abs3A_296, %abs3A_290 : vector<16xf32>
        %select_n3A_299 = arith.select %gt3A_297, %gather3A_295, %gather3A_289 : vector<16xi1>, vector<16xf32>
        %select_n3A_300 = arith.select %gt3A_297, %add3A_293, %add3A_287 : vector<16xi1>, vector<16xi32>
        %add3A_301 = arith.constant 10 : i32
        %add3A_302 = vector.broadcast %add3A_301 : i32 to vector<16xi32>
        %add3A_303 = arith.addi %mul3A_5, %add3A_302 : vector<16xi32>
        %gather3A_304 = tpu.memref_slice %arg7[%mul3A_212] : memref<8192xf32, #tpu.memory_space<vmem>> -> memref<256xf32, #tpu.memory_space<vmem>>
        %gather3A_305 = tpu.vector_load_idx %gather3A_304[%add3A_303] : memref<256xf32, #tpu.memory_space<vmem>>[vector<16xi32>], vector<16xf32>,
        %abs3A_306 = math.absf %gather3A_305 : vector<16xf32>
        %gt3A_307 = arith.cmpf ogt, %abs3A_306, %max3A_298 : vector<16xf32>
        %max3A_308 = arith.maximumf %abs3A_306, %max3A_298 : vector<16xf32>
        %select_n3A_309 = arith.select %gt3A_307, %gather3A_305, %select_n3A_299 : vector<16xi1>, vector<16xf32>
        %select_n3A_310 = arith.select %gt3A_307, %add3A_303, %select_n3A_300 : vector<16xi1>, vector<16xi32>
        %add3A_311 = arith.constant 11 : i32
        %add3A_312 = vector.broadcast %add3A_311 : i32 to vector<16xi32>
        %add3A_313 = arith.addi %mul3A_5, %add3A_312 : vector<16xi32>
        %gather3A_314 = tpu.memref_slice %arg7[%mul3A_212] : memref<8192xf32, #tpu.memory_space<vmem>> -> memref<256xf32, #tpu.memory_space<vmem>>
        %gather3A_315 = tpu.vector_load_idx %gather3A_314[%add3A_313] : memref<256xf32, #tpu.memory_space<vmem>>[vector<16xi32>], vector<16xf32>,
        %abs3A_316 = math.absf %gather3A_315 : vector<16xf32>
        %gt3A_317 = arith.cmpf ogt, %abs3A_316, %max3A_308 : vector<16xf32>
        %max3A_318 = arith.maximumf %abs3A_316, %max3A_308 : vector<16xf32>
        %select_n3A_319 = arith.select %gt3A_317, %gather3A_315, %select_n3A_309 : vector<16xi1>, vector<16xf32>
        %select_n3A_320 = arith.select %gt3A_317, %add3A_313, %select_n3A_310 : vector<16xi1>, vector<16xi32>
        %add3A_321 = arith.constant 12 : i32
        %add3A_322 = vector.broadcast %add3A_321 : i32 to vector<16xi32>
        %add3A_323 = arith.addi %mul3A_5, %add3A_322 : vector<16xi32>
        %gather3A_324 = tpu.memref_slice %arg7[%mul3A_212] : memref<8192xf32, #tpu.memory_space<vmem>> -> memref<256xf32, #tpu.memory_space<vmem>>
        %gather3A_325 = tpu.vector_load_idx %gather3A_324[%add3A_323] : memref<256xf32, #tpu.memory_space<vmem>>[vector<16xi32>], vector<16xf32>,
        %abs3A_326 = math.absf %gather3A_325 : vector<16xf32>
        %gt3A_327 = arith.cmpf ogt, %abs3A_326, %max3A_318 : vector<16xf32>
        %max3A_328 = arith.maximumf %abs3A_326, %max3A_318 : vector<16xf32>
        %select_n3A_329 = arith.select %gt3A_327, %gather3A_325, %select_n3A_319 : vector<16xi1>, vector<16xf32>
        %select_n3A_330 = arith.select %gt3A_327, %add3A_323, %select_n3A_320 : vector<16xi1>, vector<16xi32>
        %add3A_331 = arith.constant 13 : i32
        %add3A_332 = vector.broadcast %add3A_331 : i32 to vector<16xi32>
        %add3A_333 = arith.addi %mul3A_5, %add3A_332 : vector<16xi32>
        %gather3A_334 = tpu.memref_slice %arg7[%mul3A_212] : memref<8192xf32, #tpu.memory_space<vmem>> -> memref<256xf32, #tpu.memory_space<vmem>>
        %gather3A_335 = tpu.vector_load_idx %gather3A_334[%add3A_333] : memref<256xf32, #tpu.memory_space<vmem>>[vector<16xi32>], vector<16xf32>,
        %abs3A_336 = math.absf %gather3A_335 : vector<16xf32>
        %gt3A_337 = arith.cmpf ogt, %abs3A_336, %max3A_328 : vector<16xf32>
        %max3A_338 = arith.maximumf %abs3A_336, %max3A_328 : vector<16xf32>
        %select_n3A_339 = arith.select %gt3A_337, %gather3A_335, %select_n3A_329 : vector<16xi1>, vector<16xf32>
        %select_n3A_340 = arith.select %gt3A_337, %add3A_333, %select_n3A_330 : vector<16xi1>, vector<16xi32>
        %add3A_341 = arith.constant 14 : i32
        %add3A_342 = vector.broadcast %add3A_341 : i32 to vector<16xi32>
        %add3A_343 = arith.addi %mul3A_5, %add3A_342 : vector<16xi32>
        %gather3A_344 = tpu.memref_slice %arg7[%mul3A_212] : memref<8192xf32, #tpu.memory_space<vmem>> -> memref<256xf32, #tpu.memory_space<vmem>>
        %gather3A_345 = tpu.vector_load_idx %gather3A_344[%add3A_343] : memref<256xf32, #tpu.memory_space<vmem>>[vector<16xi32>], vector<16xf32>,
        %abs3A_346 = math.absf %gather3A_345 : vector<16xf32>
        %gt3A_347 = arith.cmpf ogt, %abs3A_346, %max3A_338 : vector<16xf32>
        %max3A_348 = arith.maximumf %abs3A_346, %max3A_338 : vector<16xf32>
        %select_n3A_349 = arith.select %gt3A_347, %gather3A_345, %select_n3A_339 : vector<16xi1>, vector<16xf32>
        %select_n3A_350 = arith.select %gt3A_347, %add3A_343, %select_n3A_340 : vector<16xi1>, vector<16xi32>
        %add3A_351 = arith.constant 15 : i32
        %add3A_352 = vector.broadcast %add3A_351 : i32 to vector<16xi32>
        %add3A_353 = arith.addi %mul3A_5, %add3A_352 : vector<16xi32>
        %gather3A_354 = tpu.memref_slice %arg7[%mul3A_212] : memref<8192xf32, #tpu.memory_space<vmem>> -> memref<256xf32, #tpu.memory_space<vmem>>
        %gather3A_355 = tpu.vector_load_idx %gather3A_354[%add3A_353] : memref<256xf32, #tpu.memory_space<vmem>>[vector<16xi32>], vector<16xf32>,
        %abs3A_356 = math.absf %gather3A_355 : vector<16xf32>
        %gt3A_357 = arith.cmpf ogt, %abs3A_356, %max3A_348 : vector<16xf32>
        %max3A_358 = arith.maximumf %abs3A_356, %max3A_348 : vector<16xf32>
        %select_n3A_359 = arith.select %gt3A_357, %gather3A_355, %select_n3A_349 : vector<16xi1>, vector<16xf32>
        %select_n3A_360 = arith.select %gt3A_357, %add3A_353, %select_n3A_350 : vector<16xi1>, vector<16xi32>
        %gt3A_361 = arith.cmpf ogt, %max3A_358, %max3A_282 : vector<16xf32>
        %select_n3A_362 = arith.select %gt3A_361, %select_n3A_359, %select_n3A_283 : vector<16xi1>, vector<16xf32>
        %select_n3A_363 = arith.select %gt3A_361, %select_n3A_360, %select_n3A_284 : vector<16xi1>, vector<16xi32>
        %broadcast_in_dim3A = arith.constant 0.000000e+00 : f32
        %broadcast_in_dim3A_364 = vector.broadcast %broadcast_in_dim3A : f32 to vector<16xf32>
        %swap3A = tpu.memref_slice %arg11[%mul3A_212] : memref<8192xf32, #tpu.memory_space<vmem>> -> memref<256xf32, #tpu.memory_space<vmem>>
        %swap3A_365 = arith.constant 0 : index
        %swap3A_366 = tpu.vector_load %swap3A[%swap3A_365] {strides = array<i32>} : memref<256xf32, #tpu.memory_space<vmem>>, vector<16xf32>,
        tpu.vector_store %swap3A[%swap3A_365], %broadcast_in_dim3A_364 {strides = array<i32>} : memref<256xf32, #tpu.memory_space<vmem>>, vector<16xf32>,
        %swap3A_367 = tpu.memref_slice %arg11[%mul3A_212] : memref<8192xf32, #tpu.memory_space<vmem>> -> memref<256xf32, #tpu.memory_space<vmem>>
        %swap3A_368 = arith.constant 16 : index
        %swap3A_369 = tpu.vector_load %swap3A_367[%swap3A_368] {strides = array<i32>} : memref<256xf32, #tpu.memory_space<vmem>>, vector<16xf32>,
        tpu.vector_store %swap3A_367[%swap3A_368], %broadcast_in_dim3A_364 {strides = array<i32>} : memref<256xf32, #tpu.memory_space<vmem>>, vector<16xf32>,
        %swap3A_370 = tpu.memref_slice %arg11[%mul3A_212] : memref<8192xf32, #tpu.memory_space<vmem>> -> memref<256xf32, #tpu.memory_space<vmem>>
        %swap3A_371 = arith.constant 32 : index
        %swap3A_372 = tpu.vector_load %swap3A_370[%swap3A_371] {strides = array<i32>} : memref<256xf32, #tpu.memory_space<vmem>>, vector<16xf32>,
        tpu.vector_store %swap3A_370[%swap3A_371], %broadcast_in_dim3A_364 {strides = array<i32>} : memref<256xf32, #tpu.memory_space<vmem>>, vector<16xf32>,
        %swap3A_373 = tpu.memref_slice %arg11[%mul3A_212] : memref<8192xf32, #tpu.memory_space<vmem>> -> memref<256xf32, #tpu.memory_space<vmem>>
        %swap3A_374 = arith.constant 48 : index
        %swap3A_375 = tpu.vector_load %swap3A_373[%swap3A_374] {strides = array<i32>} : memref<256xf32, #tpu.memory_space<vmem>>, vector<16xf32>,
        tpu.vector_store %swap3A_373[%swap3A_374], %broadcast_in_dim3A_364 {strides = array<i32>} : memref<256xf32, #tpu.memory_space<vmem>>, vector<16xf32>,
        %swap3A_376 = tpu.memref_slice %arg11[%mul3A_212] : memref<8192xf32, #tpu.memory_space<vmem>> -> memref<256xf32, #tpu.memory_space<vmem>>
        %swap3A_377 = arith.constant 64 : index
        %swap3A_378 = tpu.vector_load %swap3A_376[%swap3A_377] {strides = array<i32>} : memref<256xf32, #tpu.memory_space<vmem>>, vector<16xf32>,
        tpu.vector_store %swap3A_376[%swap3A_377], %broadcast_in_dim3A_364 {strides = array<i32>} : memref<256xf32, #tpu.memory_space<vmem>>, vector<16xf32>,
        %swap3A_379 = tpu.memref_slice %arg11[%mul3A_212] : memref<8192xf32, #tpu.memory_space<vmem>> -> memref<256xf32, #tpu.memory_space<vmem>>
        %swap3A_380 = arith.constant 80 : index
        %swap3A_381 = tpu.vector_load %swap3A_379[%swap3A_380] {strides = array<i32>} : memref<256xf32, #tpu.memory_space<vmem>>, vector<16xf32>,
        tpu.vector_store %swap3A_379[%swap3A_380], %broadcast_in_dim3A_364 {strides = array<i32>} : memref<256xf32, #tpu.memory_space<vmem>>, vector<16xf32>,
        %swap3A_382 = tpu.memref_slice %arg11[%mul3A_212] : memref<8192xf32, #tpu.memory_space<vmem>> -> memref<256xf32, #tpu.memory_space<vmem>>
        %swap3A_383 = arith.constant 96 : index
        %swap3A_384 = tpu.vector_load %swap3A_382[%swap3A_383] {strides = array<i32>} : memref<256xf32, #tpu.memory_space<vmem>>, vector<16xf32>,
        tpu.vector_store %swap3A_382[%swap3A_383], %broadcast_in_dim3A_364 {strides = array<i32>} : memref<256xf32, #tpu.memory_space<vmem>>, vector<16xf32>,
        %swap3A_385 = tpu.memref_slice %arg11[%mul3A_212] : memref<8192xf32, #tpu.memory_space<vmem>> -> memref<256xf32, #tpu.memory_space<vmem>>
        %swap3A_386 = arith.constant 112 : index
        %swap3A_387 = tpu.vector_load %swap3A_385[%swap3A_386] {strides = array<i32>} : memref<256xf32, #tpu.memory_space<vmem>>, vector<16xf32>,
        tpu.vector_store %swap3A_385[%swap3A_386], %broadcast_in_dim3A_364 {strides = array<i32>} : memref<256xf32, #tpu.memory_space<vmem>>, vector<16xf32>,
        %swap3A_388 = tpu.memref_slice %arg11[%mul3A_212] : memref<8192xf32, #tpu.memory_space<vmem>> -> memref<256xf32, #tpu.memory_space<vmem>>
        %swap3A_389 = arith.constant 128 : index
        %swap3A_390 = tpu.vector_load %swap3A_388[%swap3A_389] {strides = array<i32>} : memref<256xf32, #tpu.memory_space<vmem>>, vector<16xf32>,
        tpu.vector_store %swap3A_388[%swap3A_389], %broadcast_in_dim3A_364 {strides = array<i32>} : memref<256xf32, #tpu.memory_space<vmem>>, vector<16xf32>,
        %swap3A_391 = tpu.memref_slice %arg11[%mul3A_212] : memref<8192xf32, #tpu.memory_space<vmem>> -> memref<256xf32, #tpu.memory_space<vmem>>
        %swap3A_392 = arith.constant 144 : index
        %swap3A_393 = tpu.vector_load %swap3A_391[%swap3A_392] {strides = array<i32>} : memref<256xf32, #tpu.memory_space<vmem>>, vector<16xf32>,
        tpu.vector_store %swap3A_391[%swap3A_392], %broadcast_in_dim3A_364 {strides = array<i32>} : memref<256xf32, #tpu.memory_space<vmem>>, vector<16xf32>,
        %swap3A_394 = tpu.memref_slice %arg11[%mul3A_212] : memref<8192xf32, #tpu.memory_space<vmem>> -> memref<256xf32, #tpu.memory_space<vmem>>
        %swap3A_395 = arith.constant 160 : index
        %swap3A_396 = tpu.vector_load %swap3A_394[%swap3A_395] {strides = array<i32>} : memref<256xf32, #tpu.memory_space<vmem>>, vector<16xf32>,
        tpu.vector_store %swap3A_394[%swap3A_395], %broadcast_in_dim3A_364 {strides = array<i32>} : memref<256xf32, #tpu.memory_space<vmem>>, vector<16xf32>,
        %swap3A_397 = tpu.memref_slice %arg11[%mul3A_212] : memref<8192xf32, #tpu.memory_space<vmem>> -> memref<256xf32, #tpu.memory_space<vmem>>
        %swap3A_398 = arith.constant 176 : index
        %swap3A_399 = tpu.vector_load %swap3A_397[%swap3A_398] {strides = array<i32>} : memref<256xf32, #tpu.memory_space<vmem>>, vector<16xf32>,
        tpu.vector_store %swap3A_397[%swap3A_398], %broadcast_in_dim3A_364 {strides = array<i32>} : memref<256xf32, #tpu.memory_space<vmem>>, vector<16xf32>,
        %swap3A_400 = tpu.memref_slice %arg11[%mul3A_212] : memref<8192xf32, #tpu.memory_space<vmem>> -> memref<256xf32, #tpu.memory_space<vmem>>
        %swap3A_401 = arith.constant 192 : index
        %swap3A_402 = tpu.vector_load %swap3A_400[%swap3A_401] {strides = array<i32>} : memref<256xf32, #tpu.memory_space<vmem>>, vector<16xf32>,
        tpu.vector_store %swap3A_400[%swap3A_401], %broadcast_in_dim3A_364 {strides = array<i32>} : memref<256xf32, #tpu.memory_space<vmem>>, vector<16xf32>,
        %swap3A_403 = tpu.memref_slice %arg11[%mul3A_212] : memref<8192xf32, #tpu.memory_space<vmem>> -> memref<256xf32, #tpu.memory_space<vmem>>
        %swap3A_404 = arith.constant 208 : index
        %swap3A_405 = tpu.vector_load %swap3A_403[%swap3A_404] {strides = array<i32>} : memref<256xf32, #tpu.memory_space<vmem>>, vector<16xf32>,
        tpu.vector_store %swap3A_403[%swap3A_404], %broadcast_in_dim3A_364 {strides = array<i32>} : memref<256xf32, #tpu.memory_space<vmem>>, vector<16xf32>,
        %swap3A_406 = tpu.memref_slice %arg11[%mul3A_212] : memref<8192xf32, #tpu.memory_space<vmem>> -> memref<256xf32, #tpu.memory_space<vmem>>
        %swap3A_407 = arith.constant 224 : index
        %swap3A_408 = tpu.vector_load %swap3A_406[%swap3A_407] {strides = array<i32>} : memref<256xf32, #tpu.memory_space<vmem>>, vector<16xf32>,
        tpu.vector_store %swap3A_406[%swap3A_407], %broadcast_in_dim3A_364 {strides = array<i32>} : memref<256xf32, #tpu.memory_space<vmem>>, vector<16xf32>,
        %swap3A_409 = tpu.memref_slice %arg11[%mul3A_212] : memref<8192xf32, #tpu.memory_space<vmem>> -> memref<256xf32, #tpu.memory_space<vmem>>
        %swap3A_410 = arith.constant 240 : index
        %swap3A_411 = tpu.vector_load %swap3A_409[%swap3A_410] {strides = array<i32>} : memref<256xf32, #tpu.memory_space<vmem>>, vector<16xf32>,
        tpu.vector_store %swap3A_409[%swap3A_410], %broadcast_in_dim3A_364 {strides = array<i32>} : memref<256xf32, #tpu.memory_space<vmem>>, vector<16xf32>,
        %scatter3A = tpu.memref_slice %arg11[%mul3A_212] : memref<8192xf32, #tpu.memory_space<vmem>> -> memref<256xf32, #tpu.memory_space<vmem>>
        tpu.vector_store_idx %scatter3A[%select_n3A_363], %select_n3A_362 : memref<256xf32, #tpu.memory_space<vmem>>[vector<16xi32>], vector<16xf32>,
      }
      %scan3A_196 = arith.constant 32 : i32
      %dma_start3A_197 = arith.constant 0 : i32
      %dma_start3A_198 = tpu.memref_slice %arg3[%add3A_179, %dma_start3A_197] : memref<4096x8192xf32, #tpu.memory_space<hbm>> -> memref<1x8192xf32, #tpu.memory_space<hbm>>
      %dma_start3A_199 = tpu.memref_squeeze %dma_start3A_198 : memref<1x8192xf32, #tpu.memory_space<hbm>> -> memref<8192xf32, #tpu.memory_space<hbm>>
      %dma_start3A_200 = arith.constant 0 : i32
      %dma_start3A_201 = tpu.memref_slice %arg3[%add3A_179, %dma_start3A_200] : memref<4096x8192xf32, #tpu.memory_space<hbm>> -> memref<1x8192xf32, #tpu.memory_space<hbm>>
      %dma_start3A_202 = tpu.memref_squeeze %dma_start3A_201 : memref<1x8192xf32, #tpu.memory_space<hbm>> -> memref<8192xf32, #tpu.memory_space<hbm>>
      tpu.enqueue_dma source(%arg11 : memref<8192xf32, #tpu.memory_space<vmem>>) target(%dma_start3A_202 : memref<8192xf32, #tpu.memory_space<hbm>>) target_semaphore(%arg19 : memref<!tpu.dma_semaphore, #tpu.memory_space<semaphore_mem>>)
      %add3A_203 = arith.constant 4 : i32
      %add3A_204 = arith.addi %add3A_178, %add3A_203 : i32
      %lt3A_205 = arith.constant 128 : i32
      %lt3A_206 = arith.cmpi slt, %add3A_204, %lt3A_205 : i32
      %convert_element_type3A_207 = arith.extui %lt3A_206 : i1 to i32
      %cond3A_208 = arith.constant 0 : i32
      %cond3A_209 = arith.cmpi ne, %convert_element_type3A_207, %cond3A_208 : i32
      scf.if %cond3A_209 {
        %add3A_210 = arith.constant 4 : i32
        %add3A_211 = arith.addi %add3A_179, %add3A_210 : i32
        %dma_start3A_212 = arith.constant 0 : i32
        %dma_start3A_213 = tpu.memref_slice %arg2[%add3A_211, %dma_start3A_212] : memref<4096x8192xf32, #tpu.memory_space<hbm>> -> memref<1x8192xf32, #tpu.memory_space<hbm>>
        %dma_start3A_214 = tpu.memref_squeeze %dma_start3A_213 : memref<1x8192xf32, #tpu.memory_space<hbm>> -> memref<8192xf32, #tpu.memory_space<hbm>>
        %dma_start3A_215 = arith.constant 0 : i32
        %dma_start3A_216 = tpu.memref_slice %arg2[%add3A_211, %dma_start3A_215] : memref<4096x8192xf32, #tpu.memory_space<hbm>> -> memref<1x8192xf32, #tpu.memory_space<hbm>>
        %dma_start3A_217 = tpu.memref_squeeze %dma_start3A_216 : memref<1x8192xf32, #tpu.memory_space<hbm>> -> memref<8192xf32, #tpu.memory_space<hbm>>
        tpu.enqueue_dma source(%dma_start3A_217 : memref<8192xf32, #tpu.memory_space<hbm>>) target(%arg7 : memref<8192xf32, #tpu.memory_space<vmem>>) target_semaphore(%arg15 : memref<!tpu.dma_semaphore, #tpu.memory_space<semaphore_mem>>)
      } else {
      }
    }
    %scan3A_41 = arith.constant 32 : i32
    %add3A_42 = arith.constant 0 : i32
    %add3A_43 = arith.addi %mul3A_2, %add3A_42 : i32
    %dma_wait3A = arith.constant 0 : i32
    %dma_wait3A_44 = tpu.memref_slice %arg3[%add3A_43, %dma_wait3A] : memref<4096x8192xf32, #tpu.memory_space<hbm>> -> memref<1x8192xf32, #tpu.memory_space<hbm>>
    %dma_wait3A_45 = tpu.memref_squeeze %dma_wait3A_44 : memref<1x8192xf32, #tpu.memory_space<hbm>> -> memref<8192xf32, #tpu.memory_space<hbm>>
    %dma_wait3A_46 = arith.constant 0 : i32
    %dma_wait3A_47 = tpu.memref_slice %arg3[%add3A_43, %dma_wait3A_46] : memref<4096x8192xf32, #tpu.memory_space<hbm>> -> memref<1x8192xf32, #tpu.memory_space<hbm>>
    %dma_wait3A_48 = tpu.memref_squeeze %dma_wait3A_47 : memref<1x8192xf32, #tpu.memory_space<hbm>> -> memref<8192xf32, #tpu.memory_space<hbm>>
    tpu.wait_dma2 semaphore(%arg16 : memref<!tpu.dma_semaphore, #tpu.memory_space<semaphore_mem>>) src(%arg8 : memref<8192xf32, #tpu.memory_space<vmem>>) dst(%dma_wait3A_48 : memref<8192xf32, #tpu.memory_space<hbm>>)
    %add3A_49 = arith.constant 1 : i32
    %add3A_50 = arith.addi %mul3A_2, %add3A_49 : i32
    %dma_wait3A_51 = arith.constant 0 : i32
    %dma_wait3A_52 = tpu.memref_slice %arg3[%add3A_50, %dma_wait3A_51] : memref<4096x8192xf32, #tpu.memory_space<hbm>> -> memref<1x8192xf32, #tpu.memory_space<hbm>>
    %dma_wait3A_53 = tpu.memref_squeeze %dma_wait3A_52 : memref<1x8192xf32, #tpu.memory_space<hbm>> -> memref<8192xf32, #tpu.memory_space<hbm>>
    %dma_wait3A_54 = arith.constant 0 : i32
    %dma_wait3A_55 = tpu.memref_slice %arg3[%add3A_50, %dma_wait3A_54] : memref<4096x8192xf32, #tpu.memory_space<hbm>> -> memref<1x8192xf32, #tpu.memory_space<hbm>>
    %dma_wait3A_56 = tpu.memref_squeeze %dma_wait3A_55 : memref<1x8192xf32, #tpu.memory_space<hbm>> -> memref<8192xf32, #tpu.memory_space<hbm>>
    tpu.wait_dma2 semaphore(%arg17 : memref<!tpu.dma_semaphore, #tpu.memory_space<semaphore_mem>>) src(%arg9 : memref<8192xf32, #tpu.memory_space<vmem>>) dst(%dma_wait3A_56 : memref<8192xf32, #tpu.memory_space<hbm>>)
    %add3A_57 = arith.constant 2 : i32
    %add3A_58 = arith.addi %mul3A_2, %add3A_57 : i32
    %dma_wait3A_59 = arith.constant 0 : i32
    %dma_wait3A_60 = tpu.memref_slice %arg3[%add3A_58, %dma_wait3A_59] : memref<4096x8192xf32, #tpu.memory_space<hbm>> -> memref<1x8192xf32, #tpu.memory_space<hbm>>
    %dma_wait3A_61 = tpu.memref_squeeze %dma_wait3A_60 : memref<1x8192xf32, #tpu.memory_space<hbm>> -> memref<8192xf32, #tpu.memory_space<hbm>>
    %dma_wait3A_62 = arith.constant 0 : i32
    %dma_wait3A_63 = tpu.memref_slice %arg3[%add3A_58, %dma_wait3A_62] : memref<4096x8192xf32, #tpu.memory_space<hbm>> -> memref<1x8192xf32, #tpu.memory_space<hbm>>
    %dma_wait3A_64 = tpu.memref_squeeze %dma_wait3A_63 : memref<1x8192xf32, #tpu.memory_space<hbm>> -> memref<8192xf32, #tpu.memory_space<hbm>>
    tpu.wait_dma2 semaphore(%arg18 : memref<!tpu.dma_semaphore, #tpu.memory_space<semaphore_mem>>) src(%arg10 : memref<8192xf32, #tpu.memory_space<vmem>>) dst(%dma_wait3A_64 : memref<8192xf32, #tpu.memory_space<hbm>>)
    %add3A_65 = arith.constant 3 : i32
    %add3A_66 = arith.addi %mul3A_2, %add3A_65 : i32
    %dma_wait3A_67 = arith.constant 0 : i32
    %dma_wait3A_68 = tpu.memref_slice %arg3[%add3A_66, %dma_wait3A_67] : memref<4096x8192xf32, #tpu.memory_space<hbm>> -> memref<1x8192xf32, #tpu.memory_space<hbm>>
    %dma_wait3A_69 = tpu.memref_squeeze %dma_wait3A_68 : memref<1x8192xf32, #tpu.memory_space<hbm>> -> memref<8192xf32, #tpu.memory_space<hbm>>
    %dma_wait3A_70 = arith.constant 0 : i32
    %dma_wait3A_71 = tpu.memref_slice %arg3[%add3A_66, %dma_wait3A_70] : memref<4096x8192xf32, #tpu.memory_space<hbm>> -> memref<1x8192xf32, #tpu.memory_space<hbm>>
    %dma_wait3A_72 = tpu.memref_squeeze %dma_wait3A_71 : memref<1x8192xf32, #tpu.memory_space<hbm>> -> memref<8192xf32, #tpu.memory_space<hbm>>
    tpu.wait_dma2 semaphore(%arg19 : memref<!tpu.dma_semaphore, #tpu.memory_space<semaphore_mem>>) src(%arg11 : memref<8192xf32, #tpu.memory_space<vmem>>) dst(%dma_wait3A_72 : memref<8192xf32, #tpu.memory_space<hbm>>)
    return
  }
}

</mosaic_0001>

<sc_bundles>
// kernel: kernel.3.cloned.1.call-start
scs
__scs_entry_jumppad:
0x0: {  	(pc) =	sbr.rel $0x88, $3  }
0x1: {  	(tag) =	ssettag $0x0;
	lr =	simm.s32 $0x1  }
0x2: {  	[smem:$0x3FA0] =	sst lr;
	_ =	strace $0xD0000000  }
0x3: {  	_ = 	snop  }
0x4: {  	_ = 	snop  }
0x5: {  	_ = 	snop  }
0x6: {  	_ = 	snop  }
0x7: {  	_ = 	snop  }
__scs_overlays_trampoline_lowered:
0x8: {  	[smem:$0x3FAF] =	sst s0  }
0x9: {  	[smem:$0x3FB0] =	sst s1  }
0xa: {  	[smem:$0x3FB1] =	sst s2  }
0xb: {  	[smem:$0x3FB2] =	sst s3  }
0xc: {  	[smem:$0x3FB3] =	sst s4  }
0xd: {  	[smem:$0x3FB4] =	sst s5  }
0xe: {  	[smem:$0x3FB5] =	sst s6  }
0xf: {  	[smem:$0x3FB6] =	sst s7  }
0x10: {  	[smem:$0x3FB7] =	sst s8  }
0x11: {  	[smem:$0x3FB8] =	sst s9;
	s0 =	simm.s32 @!p0 $0x0  }
0x12: {  	s1 =	sld [smem:$0x3F9E];
	s0 =	simm.s32 @p0 $0x1  }
0x13: {  	[smem:$0x3FB9] =	sst s0;
	s0 =	simm.s32 @!p1 $0x0  }
0x14: {  	s2 =	sld [smem:$0x3F9D];
	s0 =	simm.s32 @p1 $0x1  }
0x15: {  	[smem:$0x3FBA] =	sst s0;
	s0 =	simm.s32 @!p2 $0x0  }
0x16: {  	s3 =	sld [smem:$0x3FDB];
	s0 =	simm.s32 @p2 $0x1  }
0x17: {  	s4 =	simm.s32 $0x1BF5;
	[smem:$0x3FBC] =	sst s0  }
0x18: {  	s0 =	sld [smem:$0x3F9F];
	_ =	swait.ge [sflag:s4], $0x0  }
0x19: {  	s7 =	sld [smem:$0x3FA0]  }
0x1a: {  	s8 =	sadd.s32 $0xFFFFE003, lr  }
0x1b: {  	s9 =	sadd.s32 $0xFFFFFEF7, lr;
	s5 =	simm.s32 $0xFFFFFFFF;
	p2 =	slt.u32 s8, $0xFFFFF086  }
0x1c: {  	p1 =	slt.u32 s9, $0xF7A;
	s5 =	simm.s32 @!p2 $0x0  }
0x1d: {  	s5 =	simm.s32 @p1 $0x1;
	p0 =	seq.s32 s7, s2  }
0x1e: {  	s7 =	smul.u32 @!p0 $0xF7A, s2;
	p2 =	seq.s32 @!p0 s5, $0x0  }
0x1f: {  	s9 =	smul.u32 $0xF7A, s1;
	s8 =	simm.s32 @!p0 $0x1BF5;
	p2 =	por !p2, p0  }
0x20: {  	[sflag:s8] =	ssyncset.s32 @!p0 $0xFFFFF086;
	s6 =	sadd.s32 @!p0 s3, s7;
	s7 =	simm.s32 @!p0 $0x108  }
0x21: {  	s3 =	sadd.s32 s3, s9;
	s6 =	sadd.s32 @!p0 $0x88, s6;
	s7 =	simm.s32 @p2 $0x1082  }
0x22: {  	[simem:s7], [sflag:s8] =	dma.local @!p0 [hbm:s6], $0xF7A  }
0x23: {  	s9 =	sor.u32 $0xD0000000, s2;
	s6 =	simm.s32 $0x108;
	_ =	swait.ge @!p0 [sflag:s8], $0x0  }
0x24: {  	s3 =	sadd.s32 $0x88, s3;
	s6 =	simm.s32 @!p1 $0x1082;
	[sflag:s4] =	ssyncset.s32 $0xFFFFF086  }
0x25: {  	[simem:s6], [sflag:s4] =	dma.local [hbm:s3], $0xF7A  }
0x26: {  	[smem:$0x3FA0] =	sst s1;
	(tag) =	ssettag s2;
	_ =	strace s9  }
0x27: {  	s1 =	sld [smem:$0x3FB0]  }
0x28: {  	s2 =	sld [smem:$0x3FB1]  }
0x29: {  	s4 =	sld [smem:$0x3FB3]  }
0x2a: {  	p0 =	seq.s32 s5, $0x0;
	s5 =	sld [smem:$0x3FB4]  }
0x2b: {  	s6 =	sld [smem:$0x3FB5]  }
0x2c: {  	s7 =	sld [smem:$0x3FB6]  }
0x2d: {  	s3 =	simm.s32 $0x108;
	s8 =	sld [smem:$0x3FB7]  }
0x2e: {  	s3 =	simm.s32 @!p0 $0x1082;
	s9 =	sld [smem:$0x3FB8]  }
0x2f: {  	lr =	sadd.s32 s0, s3;
	s0 =	sld [smem:$0x3FAF]  }
0x30: {  	s3 =	sld [smem:$0x3FB2]  }
0x31: {  	[smem:$0x3FBB] =	sst s10  }
0x32: {  	s10 =	sld [smem:$0x3FB9];
	_ =	sdelay $0x3  }
0x33: {  	p0 =	seq.s32 s10, $0x1;
	s10 =	sld [smem:$0x3FBB];
	_ =	sdelay $0x3  }
0x34: {  	[smem:$0x3FBB] =	sst s10  }
0x35: {  	s10 =	sld [smem:$0x3FBA];
	_ =	sdelay $0x3  }
0x36: {  	p1 =	seq.s32 s10, $0x1;
	s10 =	sld [smem:$0x3FBB];
	_ =	sdelay $0x3  }
0x37: {  	[smem:$0x3FBB] =	sst s10  }
0x38: {  	s10 =	sld [smem:$0x3FBC]  }
0x39: {  	_ = 	snop;
	(pc) =	sbr.ind lr, $3  }
0x3a: {  	_ = 	snop  }
0x3b: {  	_ = 	snop  }
0x3c: {  	p2 =	seq.s32 s10, $0x1;
	s10 =	sld [smem:$0x3FBB]  }
0x3d: {  	_ =	shalt  }
0x3e: {  	_ =	shalt  }
0x3f: {  	_ =	shalt  }
0x40: {  	_ =	shalt  }
0x41: {  	_ =	shalt  }
0x42: {  	_ =	shalt  }
0x43: {  	_ =	shalt  }
0x44: {  	_ =	shalt  }
0x45: {  	_ =	shalt  }
0x46: {  	_ =	shalt  }
0x47: {  	_ =	shalt  }
0x48: {  	_ =	shalt  }
0x49: {  	_ =	shalt  }
0x4a: {  	_ =	shalt  }
0x4b: {  	_ =	shalt  }
0x4c: {  	_ =	shalt  }
0x4d: {  	_ =	shalt  }
0x4e: {  	_ =	shalt  }
0x4f: {  	_ =	shalt  }
0x50: {  	_ =	shalt  }
0x51: {  	_ =	shalt  }
0x52: {  	_ =	shalt  }
0x53: {  	_ =	shalt  }
0x54: {  	_ =	shalt  }
0x55: {  	_ =	shalt  }
0x56: {  	_ =	shalt  }
0x57: {  	_ =	shalt  }
0x58: {  	_ =	shalt  }
0x59: {  	_ =	shalt  }
0x5a: {  	_ =	shalt  }
0x5b: {  	_ =	shalt  }
0x5c: {  	_ =	shalt  }
0x5d: {  	_ =	shalt  }
0x5e: {  	_ =	shalt  }
0x5f: {  	_ =	shalt  }
0x60: {  	_ =	shalt  }
0x61: {  	_ =	shalt  }
0x62: {  	_ =	shalt  }
0x63: {  	_ =	shalt  }
0x64: {  	_ =	shalt  }
0x65: {  	_ =	shalt  }
0x66: {  	_ =	shalt  }
0x67: {  	_ =	shalt  }
0x68: {  	_ =	shalt  }
0x69: {  	_ =	shalt  }
0x6a: {  	_ =	shalt  }
0x6b: {  	_ =	shalt  }
0x6c: {  	_ =	shalt  }
0x6d: {  	_ =	shalt  }
0x6e: {  	_ =	shalt  }
0x6f: {  	_ =	shalt  }
0x70: {  	_ =	shalt  }
0x71: {  	_ =	shalt  }
0x72: {  	_ =	shalt  }
0x73: {  	_ =	shalt  }
0x74: {  	_ =	shalt  }
0x75: {  	_ =	shalt  }
0x76: {  	_ =	shalt  }
0x77: {  	_ =	shalt  }
0x78: {  	_ =	shalt  }
0x79: {  	_ =	shalt  }
0x7a: {  	_ =	shalt  }
0x7b: {  	_ =	shalt  }
0x7c: {  	_ =	shalt  }
0x7d: {  	_ =	shalt  }
0x7e: {  	_ =	shalt  }
0x7f: {  	_ =	shalt  }
0x80: {  	_ =	shalt  }
0x81: {  	_ =	shalt  }
0x82: {  	_ =	shalt  }
0x83: {  	_ =	shalt  }
0x84: {  	_ =	shalt  }
0x85: {  	_ =	shalt  }
0x86: {  	_ =	shalt  }
0x87: {  	_ =	shalt  }
.Lfunc_end0:
.L_simem_size_0:
called_computation_lowered:
.L_overlay_start_0:
0x88: {  	s2 =	sld [smem:$0x3FD9]  }
0x89: {  	s3 =	sld [smem:$0x3FFE];
	_ =	sdelay $0x1  }
0x8a: {  	s1 =	srdreg.scid  }
0x8b: {  	s0 =	sand.u32 $0x1, s1  }
0x8c: {  	s18 =	sshll.u32 s0, $0xA;
	s2 =	sadd.s32 s3, s2  }
0x8d: {  	s2 =	sadd.s32 s2, s18  }
0x8e: {  	[smem:$0x3FC7] =	sst s2  }
0x8f: {  	_ = 	snop  }
0x90: {  	s2 =	sld [smem:$0x3FC9]  }
0x91: {  	s19 =	sld [smem:$0x3FD0];
	(tm) =	ssettm $0x1  }
0x92: {  	s4 =	sld [smem:$0x3FFB];
	_ =	sdelay $0x3  }
0x93: {  	_ =	strace s4  }
0x94: {  	s4 =	sld [smem:$0x3FFC];
	_ =	sdelay $0x3  }
0x95: {  	_ =	strace s4  }
0x96: {  	s4 =	sld [smem:$0x3FFD];
	_ =	sdelay $0x3  }
0x97: {  	_ =	strace s4  }
0x98: {  	_ =	strace $0x8FFFFFFF  }
0x99: {  	s20 =	sld [smem:$0x3FDB];
	_ =	sdelay $0x1  }
0x9a: {  	s5 =	simm.s32 $_scs_section_size  }
0x9b: {  	s6 =	simm.s32 $_size__tile_overlayer_lowered;
	s7 =	simm.s32 $_tile_overlayer_lowered  }
0x9c: {  	s23 =	simm.s32 $0x1BFF;
	s22 =	sshll.u32 s7, $0x1;
	s4 =	sadd.s32 s5, s20  }
0x9d: {  	s8 =	simm.s32 $0x0;
	s21 =	sshll.u32 s6, $0x1;
	s6 =	sadd.s32 s22, s4  }
0x9e: {  	[timem:s8], [sflag:s23] =	dma.local [hbm:s6], s21  }
0x9f: {  	_ =	swait.ge [sflag:s23], s21  }
0xa0: {  	s5 =	ssub.s32 $0x0, s21;
	[sflag:s23] =	ssyncset.done $0x0  }
0xa1: {  	[sflag:s23] =	ssyncadd.s32 s5;
	_ =	sdelay $0x1  }
0xa2: {  	s24 =	simm.s32 $0x1B8B  }
0xa3: {  	_ =	swait.ge [sflag:s24], $0x1  }
0xa4: {  	[sflag:s24] =	ssyncset.done $0x0  }
0xa5: {  	s25 =	simm.s32 $0x1B8E;
	[sflag:s24] =	ssyncadd.s32 $0xFFFFFFFF  }
0xa6: {  	s26 =	simm.s32 $execute0_lowered;
	[smem:$0x3FD2] =	sst s25  }
0xa7: {  	s5 =	sshll.u32 s26, $0x1;
	_ =	strace $0x80000046;
	[dreg:$0x1] =	wrdreg $0xFFFFFFFF  }
0xa8: {  	s28 =	simm.s32 $_size_execute0_lowered;
	s4 =	sadd.s32 s4, s5;
	[dreg:$0x0] =	wrdreg $0x0  }
0xa9: {  	s5 =	sshll.u32 s28, $0x1;
	[dreg:$0x2] =	wrdreg s4  }
0xaa: {  	[dreg:$0x3] =	wrdreg s5  }
0xab: {  	[dreg:$0x4] =	wrdreg $0xC0  }
0xac: {  	_ =	task [dreg:s8], $0x5FFFF  }
0xad: {  	[dreg:$0x1] =	wrdreg $0xFFFFFFFF  }
0xae: {  	[dreg:$0x0] =	wrdreg $0x60  }
0xaf: {  	[dreg:$0x2] =	wrdreg s2  }
0xb0: {  	[dreg:$0x3] =	wrdreg s19  }
0xb1: {  	[dreg:$0x4] =	wrdreg $0x9  }
0xb2: {  	_ =	task.clear_ibuf [dreg:s8], $0x5FFFF;
	_ =	strace $0x90000046  }
0xb3: {  	s29 =	simm.s32 $0x9;
	_ =	strace $0x80000048  }
0xb4: {  	_ =	swait.ge [sflag:s29], $0x1  }
0xb5: {  	[sflag:s29] =	ssyncadd.s32 $0xFFFFFFFF  }
0xb6: {  	_ =	strace $0x90000048  }
0xb7: {  	_ =	sfence  }
0xb8: {  	s30 =	sld [smem:$0x0];
	_ =	sdelay $0x2  }
0xb9: {  	s31 =	sshll.u32 s1, $0xD;
	s1 =	sshrl.u32 s1, $0x2  }
0xba: {  	s3 =	sand.u32 $0x4000, s31;
	s1 =	sadd.s32 s1, s30  }
0xbb: {  	s0 =	sor.u32 s3, s0;
	s1 =	sshll.u32 s1, $0x11  }
0xbc: {  	s0 =	sor.u32 s1, s0  }
0xbd: {  	s0 =	sadd.s32 $0x8F2B, s0  }
0xbe: {  	[sflag:s0] =	ssyncadd.remote.s32 $0x1  }
0xbf: {  	_ =	sfence.sel $0xFFFF  }
0xc0: {  	[dreg:$0x0] =	wrdreg $0xFFFFFFFF;
	(pc) =	sbr.abs _section_cstart, $3  }
0xc1: {  	[dreg:$0x1] =	wrdreg $0xFFFFFFFF  }
0xc2: {  	_ =	task.clear_ibuf [dreg:s8], $0x2FFFF;
	_ =	strace $0x9FFFFFFF  }
0xc3: {  	(tm) =	ssettm $0x7FFFFFFF  }
tec
execute0_lowered:
.L_overlay_start_1:
0x0: {  	(tag) =	ssettag $0x1  }
0x1: {  	s0 =	srdreg.scid;
	s2 =	rddreg [dreg:$0x0]  }
0x2: {  	s1 =	stileid.u32;
	s3 =	rddreg [dreg:$0x1];
	s5 =	simm.s32 $0x0  }
0x3: {  	s11 =	simm.s32 $0x80;
	s12 =	simm.s32 $0x400;
	s15 =	simm.s32 $0x6000  }
0x4: {  	s16 =	simm.s32 $0x1;
	s17 =	simm.s32 $0x8000;
	s18 =	simm.s32 $0x2  }
0x5: {  	s19 =	simm.s32 $0xA000;
	s20 =	simm.s32 $0x3;
	s21 =	simm.s32 $0xC000  }
0x6: {  	v0 =	vlaneseq.u32;
	s22 =	simm.s32 $0x4;
	s23 =	simm.s32 $0xE000;
	s24 =	simm.s32 $0x5  }
0x7: {  	s25 =	simm.s32 $0x6;
	s26 =	simm.s32 $0x7;
	s0 =	sand.u32 $0x1, s0;
	v0 =	vmul.u32 $0x10, v0  }
0x8: {  	v16 =	vimm.f32 $0.0e+00;
	s28 =	simm.s32 $0x8;
	s1 =	sshll.u32 s1, $0x8;
	s4 =	sshll.u32 s0, $0x7  }
.Ltmp0:
0x9: {  	s0 =	ssub.s32 $0x2, s0;
	s4 =	sor.u32 s4, s1;
	v1 =	vor.u32 $0x1, v0;
	v2 =	vor.u32 $0x2, v0;
	v3 =	vor.u32 $0x3, v0;
	(pc) =	sbr.rel .LBB2_1-.Ltmp0, $4  }
0xa: {  	s29 =	simm.s32 $0x0;
	s31 =	sshrl.u32 s0, $0x1;
	v4 =	vor.u32 $0x4, v0;
	v5 =	vor.u32 $0x5, v0;
	v6 =	vor.u32 $0x6, v0;
	s1 =	sshll.u32 s4, $0xA  }
0xb: {  	[smem:$0x7FF] =	sst s5;
	v7 =	vor.u32 $0x7, v0;
	v8 =	vor.u32 $0x8, v0;
	v9 =	vor.u32 $0x9, v0;
	s0 =	ssub.s32 s0, s31;
	s6 =	sadd.s32 s2, s1  }
0xc: {  	_ =	strace $0x80000047;
	v10 =	vor.u32 $0xA, v0;
	v11 =	vor.u32 $0xB, v0;
	v12 =	vor.u32 $0xC, v0;
	s10 =	smax.u32 s0, $0x1;
	s1 =	sadd.s32 $0x10, s6  }
0xd: {  	v13 =	vor.u32 $0xD, v0;
	v14 =	vor.u32 $0xE, v0;
	v15 =	vor.u32 $0xF, v0;
	s8 =	sadd.s32 $0x20, s6;
	s9 =	sadd.s32 $0x30, s6;
	[dreg:$0x3] =	wrdreg s1  }
.LBB2_12:
0xe: {  	_ =	swait.ge [sflag:s24], $0x2000  }
0xf: {  	[sflag:s24] =	ssyncset.done $0x0  }
0x10: {  	[sflag:s24] =	ssyncadd.s32 $0xFFFFE000  }
0x11: {  	_ =	swait.ge [sflag:s25], $0x2000  }
0x12: {  	[sflag:s25] =	ssyncset.done $0x0  }
0x13: {  	s29 =	sadd.s32 $0x1, s29;
	[sflag:s25] =	ssyncadd.s32 $0xFFFFE000  }
0x14: {  	p0 =	sne.s32 s29, s10;
	_ =	swait.ge [sflag:s26], $0x2000  }
.Ltmp1:
0x15: {  	[sflag:s26] =	ssyncset.done $0x0;
	(pc) =	sbr.rel @!p0 .LBB2_13-.Ltmp1, $4  }
0x16: {  	[sflag:s26] =	ssyncadd.s32 $0xFFFFE000  }
0x17: {  	_ =	swait.ge [sflag:s28], $0x2000  }
0x18: {  	[sflag:s28] =	ssyncset.done $0x0  }
0x19: {  	[sflag:s28] =	ssyncadd.s32 $0xFFFFE000  }
.LBB2_1:
0x1a: {  	s0 =	simm.s32 $0x0  }
0x1b: {  	[tilespmem:s0], [sflag:$0x1] =	stream.strided.gather [hbm4b:s6+s11], $0x2000, s12, s11, $0x38;
	[tilespmem:$0x10000] =	vst v63  }
0x1c: {  	s14 =	rddreg [dreg:$0x3];
	s1 =	simm.s32 $0x2000  }
0x1d: {  	[tilespmem:s1], [sflag:$0x2] =	stream.strided.gather [hbm4b:s14+s11], $0x2000, s12, s11, $0x38;
	[tilespmem:$0x10000] =	vst v63  }
0x1e: {  	s31 =	simm.s32 $0x4000  }
0x1f: {  	[tilespmem:s31], [sflag:$0x3] =	stream.strided.gather [hbm4b:s8+s11], $0x2000, s12, s11, $0x38;
	[tilespmem:$0x10000] =	vst v63  }
0x20: {  	s30 =	simm.s32 $0x0  }
0x21: {  	[tilespmem:s15], [sflag:$0x4] =	stream.strided.gather [hbm4b:s9+s11], $0x2000, s12, s11, $0x38;
	[tilespmem:$0x10000] =	vst v63  }
.LBB2_2:
0x22: {  	_ =	swait.ge [sflag:s16], $0x2000  }
0x23: {  	p0 =	seq.s32 s30, $0x0;
	[sflag:s16] =	ssyncset.done $0x0  }
0x24: {  	s0 =	simm.s32 @!p0 $0x5;
	[sflag:s16] =	ssyncadd.s32 $0xFFFFE000  }
0x25: {  	_ =	swait.ge @!p0 [sflag:s0], $0x2000  }
0x26: {  	[sflag:s0] =	ssyncset.done @!p0 $0x0  }
0x27: {  	s1 =	simm.s32 $0x0;
	[sflag:s0] =	ssyncadd.s32 @!p0 $0xFFFFE000  }
0x28: {  	v28 =	vld.idx.msk [tilespmem:v10+s1+$0x0], $0xffff  }
0x29: {  	v18 =	vld.idx.msk [tilespmem:v9+s1+$0x0], $0xffff  }
0x2a: {  	v19 =	vld.idx.msk [tilespmem:v8+s1+$0x0], $0xffff  }
0x2b: {  	v21 =	vld.idx.msk [tilespmem:v1+s1+$0x0], $0xffff  }
0x2c: {  	v22 =	vld.idx.msk [tilespmem:v0+s1+$0x0], $0xffff  }
0x2d: {  	v23 =	vld.idx.msk [tilespmem:v2+s1+$0x0], $0xffff  }
0x2e: {  	v20 =	vld.idx.msk [tilespmem:v11+s1+$0x0], $0xffff  }
0x2f: {  	v26 =	vld.idx.msk [tilespmem:v3+s1+$0x0], $0xffff;
	_ =	sdelay $0x2  }
0x30: {  	v17 =	vand.u32 $0x7FFFFFFF, v18;
	v24 =	vand.u32 $0x7FFFFFFF, v19;
	v25 =	vand.u32 $0x7FFFFFFF, v28  }
0x31: {  	v27 =	vand.u32 $0x7FFFFFFF, v21;
	v30 =	vand.u32 $0x7FFFFFFF, v22;
	v32 =	vand.u32 $0x7FFFFFFF, v23  }
0x32: {  	v36 =	vand.u32 $0x7FFFFFFF, v20;
	v37 =	vand.u32 $0x7FFFFFFF, v26;
	vm0 =	vgt.f32 v17, v24  }
0x33: {  	v29 =	vmax.f32 v17, v24;
	v17 =	vld.idx.msk [tilespmem:v12+s1+$0x0], $0xffff;
	v31 =	vmax.f32 v27, v30;
	v33 =	vsel vm0, v9, v8  }
0x34: {  	v24 =	vld.idx.msk [tilespmem:v4+s1+$0x0], $0xffff;
	vm1 =	vgt.f32 v25, v29;
	v34 =	vsel vm0, v18, v19;
	vm0 =	vgt.f32 v27, v30  }
0x35: {  	v27 =	vmax.f32 v32, v31;
	v19 =	vld.idx.msk [tilespmem:v13+s1+$0x0], $0xffff;
	vm3 =	vgt.f32 v32, v31;
	v25 =	vmax.f32 v25, v29  }
0x36: {  	v18 =	vld.idx.msk [tilespmem:v7+s1+$0x0], $0xffff;
	v29 =	vsel vm0, v21, v22;
	v22 =	vsel vm0, v1, v0;
	vm2 =	vgt.f32 v37, v27  }
0x37: {  	s31 =	sshll.u32 s30, $0x2;
	v21 =	vld.idx.msk [tilespmem:v14+s1+$0x0], $0xffff;
	vm0 =	vgt.f32 v36, v25;
	v35 =	vsel vm1, v10, v33;
	v36 =	vmax.f32 v36, v25  }
0x38: {  	s0 =	sor.u32 s4, s31;
	v27 =	vmax.f32 v37, v27;
	v25 =	vld.idx.msk [tilespmem:v5+s1+$0x0], $0xffff;
	v28 =	vsel vm1, v28, v34;
	v30 =	vsel vm3, v2, v22  }
0x39: {  	s7 =	sshll.u32 s30, $0x6;
	s5 =	sshll.u32 s0, $0xA;
	v31 =	vsel vm3, v23, v29;
	v23 =	vld.idx.msk [tilespmem:v6+s1+$0x0], $0xffff;
	v32 =	vand.u32 $0x7FFFFFFF, v17;
	v29 =	vand.u32 $0x7FFFFFFF, v24  }
0x3a: {  	s14 =	sand.u32 $0x40, s7;
	s13 =	sand.u32 $0x3FE000, s5;
	s5 =	simm.s32 $0x400;
	v22 =	vld.idx.msk [tilespmem:v15+s1+$0x0], $0xffff;
	[tilespmem:s1+$0x8000] =	vst v16;
	vm1 =	vgt.f32 v29, v27;
	v33 =	vmax.f32 v32, v36;
	v34 =	vand.u32 $0x7FFFFFFF, v19  }
.LBB2_3:
0x3b: {  	p1 =	sne.s32 s5, $0x7C00;
	v37 =	vand.u32 $0x7FFFFFFF, v18;
	v35 =	vsel vm0, v11, v35;
	vm3 =	vgt.f32 v32, v36;
	[tilespmem:s1+$0x8010] =	vst v16;
	s7 =	smov.u32 s5;
	s5 =	sadd.s32 $0x400, s5  }
0x3c: {  	v26 =	vsel vm2, v26, v31;
	v30 =	vsel vm2, v3, v30;
	v31 =	vsel vm3, v12, v35;
	[tilespmem:s1+$0x8020] =	vst v16  }
0x3d: {  	v32 =	vand.u32 $0x7FFFFFFF, v21;
	v24 =	vsel vm1, v24, v26;
	v26 =	vmax.f32 v34, v33;
	[tilespmem:s1+$0x8030] =	vst v16  }
0x3e: {  	vm4 =	vgt.f32 v34, v33;
	v35 =	vand.u32 $0x7FFFFFFF, v23;
	vm2 =	vgt.f32 v32, v26;
	[tilespmem:s1+$0x8040] =	vst v16  }
0x3f: {  	v31 =	vsel vm4, v13, v31;
	v26 =	vmax.f32 v32, v26;
	v32 =	vand.u32 $0x7FFFFFFF, v22;
	[tilespmem:s1+$0x8050] =	vst v16  }
0x40: {  	v30 =	vsel vm1, v4, v30;
	v31 =	vsel vm2, v14, v31;
	vm1 =	vgt.f32 v32, v26;
	[tilespmem:s1+$0x8060] =	vst v16  }
0x41: {  	v27 =	vmax.f32 v29, v27;
	v20 =	vsel vm0, v20, v28;
	v29 =	vand.u32 $0x7FFFFFFF, v25;
	[tilespmem:s1+$0x8070] =	vst v16  }
0x42: {  	v26 =	vmax.f32 v32, v26;
	vm0 =	vgt.f32 v29, v27;
	v27 =	vmax.f32 v29, v27;
	[tilespmem:s1+$0x8080] =	vst v16  }
0x43: {  	v28 =	vsel vm0, v5, v30;
	vm5 =	vgt.f32 v35, v27;
	v27 =	vmax.f32 v35, v27;
	[tilespmem:s1+$0x8090] =	vst v16  }
0x44: {  	v28 =	vsel vm5, v6, v28;
	vm6 =	vgt.f32 v37, v27;
	v27 =	vmax.f32 v37, v27;
	[tilespmem:s1+$0x80A0] =	vst v16  }
0x45: {  	v17 =	vsel vm3, v17, v20;
	v20 =	vsel vm1, v15, v31;
	v28 =	vsel vm6, v7, v28;
	[tilespmem:s1+$0x80B0] =	vst v16  }
0x46: {  	v17 =	vsel vm4, v19, v17;
	v24 =	vsel vm0, v25, v24;
	vm0 =	vgt.f32 v26, v27;
	[tilespmem:s1+$0x80C0] =	vst v16  }
0x47: {  	v17 =	vsel vm2, v21, v17;
	v19 =	vsel vm5, v23, v24;
	v20 =	vsel vm0, v20, v28;
	[tilespmem:s1+$0x80D0] =	vst v16  }
0x48: {  	v17 =	vsel vm1, v22, v17;
	v18 =	vsel vm6, v18, v19;
	[tilespmem:s1+$0x80E0] =	vst v16  }
0x49: {  	[tilespmem:s1+$0x80F0] =	vst v16;
	_ =	sdelay $0x1  }
0x4a: {  	v17 =	vsel vm0, v17, v18  }
0x4b: {  	[tilespmem:v20+s1+$0x8000] =	vst.idx.msk $0xffff, v17  }
0x4c: {  	s1 =	sshra.s32 s7, $0x2  }
0x4d: {  	v23 =	vld.idx.msk [tilespmem:v2+s1+$0x0], $0xffff  }
0x4e: {  	v28 =	vld.idx.msk [tilespmem:v10+s1+$0x0], $0xffff  }
0x4f: {  	v18 =	vld.idx.msk [tilespmem:v9+s1+$0x0], $0xffff  }
0x50: {  	v19 =	vld.idx.msk [tilespmem:v8+s1+$0x0], $0xffff  }
0x51: {  	v21 =	vld.idx.msk [tilespmem:v1+s1+$0x0], $0xffff  }
0x52: {  	v22 =	vld.idx.msk [tilespmem:v0+s1+$0x0], $0xffff  }
0x53: {  	v20 =	vld.idx.msk [tilespmem:v11+s1+$0x0], $0xffff  }
0x54: {  	v26 =	vld.idx.msk [tilespmem:v3+s1+$0x0], $0xffff  }
0x55: {  	v17 =	vand.u32 $0x7FFFFFFF, v18  }
0x56: {  	v25 =	vand.u32 $0x7FFFFFFF, v28;
	v24 =	vand.u32 $0x7FFFFFFF, v19  }
0x57: {  	v27 =	vand.u32 $0x7FFFFFFF, v21;
	vm0 =	vgt.f32 v17, v24;
	v29 =	vmax.f32 v17, v24;
	v17 =	vld.idx.msk [tilespmem:v12+s1+$0x0], $0xffff  }
0x58: {  	v30 =	vand.u32 $0x7FFFFFFF, v22;
	v33 =	vsel vm0, v9, v8;
	vm1 =	vgt.f32 v25, v29;
	v24 =	vld.idx.msk [tilespmem:v4+s1+$0x0], $0xffff  }
0x59: {  	v32 =	vand.u32 $0x7FFFFFFF, v23;
	v34 =	vsel vm0, v18, v19;
	v31 =	vmax.f32 v27, v30  }
0x5a: {  	vm0 =	vgt.f32 v27, v30;
	v36 =	vand.u32 $0x7FFFFFFF, v20;
	v27 =	vmax.f32 v32, v31;
	v19 =	vld.idx.msk [tilespmem:v13+s1+$0x0], $0xffff  }
0x5b: {  	v25 =	vmax.f32 v25, v29;
	vm3 =	vgt.f32 v32, v31;
	v37 =	vand.u32 $0x7FFFFFFF, v26;
	v18 =	vld.idx.msk [tilespmem:v7+s1+$0x0], $0xffff  }
.Ltmp2:
0x5c: {  	v29 =	vsel vm0, v21, v22;
	v22 =	vsel vm0, v1, v0;
	vm2 =	vgt.f32 v37, v27;
	v21 =	vld.idx.msk [tilespmem:v14+s1+$0x0], $0xffff;
	(pc) =	sbr.rel @p1 .LBB2_3-.Ltmp2, $4  }
0x5d: {  	vm0 =	vgt.f32 v36, v25;
	v30 =	vsel vm3, v2, v22;
	v32 =	vand.u32 $0x7FFFFFFF, v17;
	v22 =	vld.idx.msk [tilespmem:v15+s1+$0x0], $0xffff  }
0x5e: {  	v35 =	vsel vm1, v10, v33;
	v36 =	vmax.f32 v36, v25;
	v31 =	vsel vm3, v23, v29;
	v23 =	vld.idx.msk [tilespmem:v6+s1+$0x0], $0xffff  }
0x5f: {  	v28 =	vsel vm1, v28, v34;
	v27 =	vmax.f32 v37, v27;
	v29 =	vand.u32 $0x7FFFFFFF, v24;
	v25 =	vld.idx.msk [tilespmem:v5+s1+$0x0], $0xffff  }
0x60: {  	v33 =	vmax.f32 v32, v36;
	vm1 =	vgt.f32 v29, v27;
	v34 =	vand.u32 $0x7FFFFFFF, v19;
	[tilespmem:s1+$0x8000] =	vst v16  }
0x61: {  	v37 =	vand.u32 $0x7FFFFFFF, v18;
	v35 =	vsel vm0, v11, v35  }
0x62: {  	vm3 =	vgt.f32 v32, v36;
	[tilespmem:s1+$0x8010] =	vst v16;
	v26 =	vsel vm2, v26, v31;
	v30 =	vsel vm2, v3, v30  }
0x63: {  	[tilespmem:s1+$0x8020] =	vst v16;
	v55 =	vmax.f32 v34, v33;
	v56 =	vand.u32 $0x7FFFFFFF, v21;
	vm4 =	vgt.f32 v34, v33  }
0x64: {  	[tilespmem:s1+$0x8030] =	vst v16;
	v27 =	vmax.f32 v29, v27;
	v20 =	vsel vm0, v20, v28;
	v31 =	vsel vm3, v12, v35  }
0x65: {  	[tilespmem:s1+$0x8040] =	vst v16;
	vm2 =	vgt.f32 v56, v55;
	v32 =	vmax.f32 v56, v55;
	v58 =	vand.u32 $0x7FFFFFFF, v22  }
0x66: {  	[tilespmem:s1+$0x8050] =	vst v16;
	v30 =	vsel vm1, v4, v30;
	v57 =	vand.u32 $0x7FFFFFFF, v23;
	v31 =	vsel vm4, v13, v31  }
0x67: {  	[tilespmem:s1+$0x8060] =	vst v16;
	vm5 =	vgt.f32 v58, v32;
	v31 =	vsel vm2, v14, v31;
	v28 =	vand.u32 $0x7FFFFFFF, v25  }
0x68: {  	[tilespmem:s1+$0x8070] =	vst v16;
	vm0 =	vgt.f32 v28, v27;
	v27 =	vmax.f32 v28, v27;
	v28 =	vmax.f32 v58, v32  }
0x69: {  	[tilespmem:s1+$0x8080] =	vst v16;
	v29 =	vsel vm0, v5, v30;
	vm6 =	vgt.f32 v57, v27;
	v27 =	vmax.f32 v57, v27  }
0x6a: {  	[tilespmem:s1+$0x8090] =	vst v16;
	v29 =	vsel vm6, v6, v29;
	vm7 =	vgt.f32 v37, v27;
	v27 =	vmax.f32 v37, v27  }
0x6b: {  	[tilespmem:s1+$0x80A0] =	vst v16;
	v30 =	vsel vm5, v15, v31;
	v29 =	vsel vm7, v7, v29;
	vm8 =	vgt.f32 v28, v27  }
0x6c: {  	[tilespmem:s1+$0x80B0] =	vst v16;
	v24 =	vsel vm1, v24, v26;
	v17 =	vsel vm3, v17, v20;
	v20 =	vsel vm8, v30, v29  }
0x6d: {  	[tilespmem:s1+$0x80C0] =	vst v16;
	v17 =	vsel vm4, v19, v17;
	v24 =	vsel vm0, v25, v24  }
0x6e: {  	[tilespmem:s1+$0x80D0] =	vst v16;
	v17 =	vsel vm2, v21, v17;
	v19 =	vsel vm6, v23, v24  }
0x6f: {  	[tilespmem:s1+$0x80E0] =	vst v16;
	p1 =	seq.s32 s30, $0x1F;
	v17 =	vsel vm5, v22, v17;
	v18 =	vsel vm7, v18, v19  }
0x70: {  	[tilespmem:s1+$0x80F0] =	vst v16;
	s5 =	sadd.s32 s3, s14;
	s0 =	sadd.s32 @!p1 $0x4, s0;
	v17 =	vsel vm8, v17, v18  }
0x71: {  	s13 =	sadd.s32 s13, s5;
	[tilespmem:v20+s1+$0x8000] =	vst.idx.msk $0xffff, v17;
	s1 =	sshll.u32 @!p1 s0, $0x4  }
0x72: {  	[hbm4b:s13+s11] =	stream.strided.scatter [tilespmem:s17], [sflag:$0x5], $0x2000, s12, s11, $0x38;
	[tilespmem:$0x10000] =	vst v63  }
0x73: {  	s0 =	sshll.u32 @!p1 s0, $0xA;
	s1 =	sand.u32 @!p1 $0x40, s1  }
0x74: {  	s5 =	simm.s32 @!p1 $0x400;
	s0 =	sand.u32 @!p1 $0xFFFE000, s0;
	s1 =	sadd.s32 @!p1 s2, s1  }
0x75: {  	s7 =	simm.s32 @!p1 $0x0;
	s0 =	sadd.s32 @!p1 s0, s1;
	s1 =	simm.s32 @!p1 $0x80  }
0x76: {  	[tilespmem:s7], [sflag:$0x1] =	stream.strided.gather @!p1 [hbm4b:s0+s1], $0x2000, s5, s1, $0x38;
	[tilespmem:$0x10000] =	vst v63  }
0x77: {  	_ =	swait.ge [sflag:s18], $0x2000  }
0x78: {  	[sflag:s18] =	ssyncset.done $0x0  }
0x79: {  	s0 =	simm.s32 @!p0 $0x6;
	[sflag:s18] =	ssyncadd.s32 $0xFFFFE000  }
0x7a: {  	_ =	swait.ge @!p0 [sflag:s0], $0x2000  }
0x7b: {  	[sflag:s0] =	ssyncset.done @!p0 $0x0  }
0x7c: {  	s1 =	simm.s32 $0x0;
	[sflag:s0] =	ssyncadd.s32 @!p0 $0xFFFFE000  }
0x7d: {  	v28 =	vld.idx.msk [tilespmem:v10+s1+$0x2000], $0xffff  }
0x7e: {  	v18 =	vld.idx.msk [tilespmem:v9+s1+$0x2000], $0xffff  }
0x7f: {  	v19 =	vld.idx.msk [tilespmem:v8+s1+$0x2000], $0xffff  }
0x80: {  	v21 =	vld.idx.msk [tilespmem:v1+s1+$0x2000], $0xffff  }
0x81: {  	v22 =	vld.idx.msk [tilespmem:v0+s1+$0x2000], $0xffff  }
0x82: {  	v23 =	vld.idx.msk [tilespmem:v2+s1+$0x2000], $0xffff  }
0x83: {  	v20 =	vld.idx.msk [tilespmem:v11+s1+$0x2000], $0xffff  }
0x84: {  	v26 =	vld.idx.msk [tilespmem:v3+s1+$0x2000], $0xffff;
	_ =	sdelay $0x2  }
0x85: {  	v17 =	vand.u32 $0x7FFFFFFF, v18;
	v24 =	vand.u32 $0x7FFFFFFF, v19;
	v25 =	vand.u32 $0x7FFFFFFF, v28  }
0x86: {  	v27 =	vand.u32 $0x7FFFFFFF, v21;
	v30 =	vand.u32 $0x7FFFFFFF, v22;
	v60 =	vand.u32 $0x7FFFFFFF, v23  }
0x87: {  	v62 =	vand.u32 $0x7FFFFFFF, v20;
	v63 =	vand.u32 $0x7FFFFFFF, v26;
	vm0 =	vgt.f32 v17, v24  }
0x88: {  	v29 =	vmax.f32 v17, v24;
	v17 =	vld.idx.msk [tilespmem:v12+s1+$0x2000], $0xffff;
	v31 =	vmax.f32 v27, v30;
	v59 =	vsel vm0, v9, v8  }
0x89: {  	v24 =	vld.idx.msk [tilespmem:v4+s1+$0x2000], $0xffff;
	vm1 =	vgt.f32 v25, v29;
	v61 =	vsel vm0, v18, v19;
	vm0 =	vgt.f32 v27, v30  }
0x8a: {  	v27 =	vmax.f32 v60, v31;
	v19 =	vld.idx.msk [tilespmem:v13+s1+$0x2000], $0xffff;
	vm3 =	vgt.f32 v60, v31;
	v25 =	vmax.f32 v25, v29  }
0x8b: {  	s5 =	sor.u32 $0x1, s31;
	v18 =	vld.idx.msk [tilespmem:v7+s1+$0x2000], $0xffff;
	v29 =	vsel vm0, v21, v22;
	v22 =	vsel vm0, v1, v0;
	vm2 =	vgt.f32 v63, v27  }
0x8c: {  	s0 =	sor.u32 s4, s5;
	v21 =	vld.idx.msk [tilespmem:v14+s1+$0x2000], $0xffff;
	vm0 =	vgt.f32 v62, v25;
	v35 =	vsel vm1, v10, v59;
	v36 =	vmax.f32 v62, v25  }
0x8d: {  	s14 =	sshll.u32 s0, $0xA;
	v27 =	vmax.f32 v63, v27;
	v25 =	vld.idx.msk [tilespmem:v5+s1+$0x2000], $0xffff;
	v28 =	vsel vm1, v28, v61;
	v30 =	vsel vm3, v2, v22  }
0x8e: {  	s5 =	sshll.u32 s5, $0x4;
	s13 =	sand.u32 $0x3FE000, s14;
	v31 =	vsel vm3, v23, v29;
	v23 =	vld.idx.msk [tilespmem:v6+s1+$0x2000], $0xffff;
	v32 =	vand.u32 $0x7FFFFFFF, v17;
	v29 =	vand.u32 $0x7FFFFFFF, v24  }
0x8f: {  	s14 =	sand.u32 $0x50, s5;
	s5 =	simm.s32 $0x400;
	v22 =	vld.idx.msk [tilespmem:v15+s1+$0x2000], $0xffff;
	[tilespmem:s1+$0xA000] =	vst v16;
	vm1 =	vgt.f32 v29, v27;
	v33 =	vmax.f32 v32, v36;
	v34 =	vand.u32 $0x7FFFFFFF, v19  }
.LBB2_5:
0x90: {  	p2 =	sne.s32 s5, $0x7C00;
	v37 =	vand.u32 $0x7FFFFFFF, v18;
	v35 =	vsel vm0, v11, v35;
	vm3 =	vgt.f32 v32, v36;
	[tilespmem:s1+$0xA010] =	vst v16;
	s7 =	smov.u32 s5;
	s5 =	sadd.s32 $0x400, s5  }
0x91: {  	v26 =	vsel vm2, v26, v31;
	v30 =	vsel vm2, v3, v30;
	v31 =	vsel vm3, v12, v35;
	[tilespmem:s1+$0xA020] =	vst v16  }
0x92: {  	v32 =	vand.u32 $0x7FFFFFFF, v21;
	v24 =	vsel vm1, v24, v26;
	v26 =	vmax.f32 v34, v33;
	[tilespmem:s1+$0xA030] =	vst v16  }
0x93: {  	vm4 =	vgt.f32 v34, v33;
	v35 =	vand.u32 $0x7FFFFFFF, v23;
	vm2 =	vgt.f32 v32, v26;
	[tilespmem:s1+$0xA040] =	vst v16  }
0x94: {  	v31 =	vsel vm4, v13, v31;
	v26 =	vmax.f32 v32, v26;
	v32 =	vand.u32 $0x7FFFFFFF, v22;
	[tilespmem:s1+$0xA050] =	vst v16  }
0x95: {  	v30 =	vsel vm1, v4, v30;
	v31 =	vsel vm2, v14, v31;
	vm1 =	vgt.f32 v32, v26;
	[tilespmem:s1+$0xA060] =	vst v16  }
0x96: {  	v27 =	vmax.f32 v29, v27;
	v20 =	vsel vm0, v20, v28;
	v29 =	vand.u32 $0x7FFFFFFF, v25;
	[tilespmem:s1+$0xA070] =	vst v16  }
0x97: {  	v26 =	vmax.f32 v32, v26;
	vm0 =	vgt.f32 v29, v27;
	v27 =	vmax.f32 v29, v27;
	[tilespmem:s1+$0xA080] =	vst v16  }
0x98: {  	v28 =	vsel vm0, v5, v30;
	vm5 =	vgt.f32 v35, v27;
	v27 =	vmax.f32 v35, v27;
	[tilespmem:s1+$0xA090] =	vst v16  }
0x99: {  	v28 =	vsel vm5, v6, v28;
	vm6 =	vgt.f32 v37, v27;
	v27 =	vmax.f32 v37, v27;
	[tilespmem:s1+$0xA0A0] =	vst v16  }
0x9a: {  	v17 =	vsel vm3, v17, v20;
	v20 =	vsel vm1, v15, v31;
	v28 =	vsel vm6, v7, v28;
	[tilespmem:s1+$0xA0B0] =	vst v16  }
0x9b: {  	v17 =	vsel vm4, v19, v17;
	v24 =	vsel vm0, v25, v24;
	vm0 =	vgt.f32 v26, v27;
	[tilespmem:s1+$0xA0C0] =	vst v16  }
0x9c: {  	v17 =	vsel vm2, v21, v17;
	v19 =	vsel vm5, v23, v24;
	v20 =	vsel vm0, v20, v28;
	[tilespmem:s1+$0xA0D0] =	vst v16  }
0x9d: {  	v17 =	vsel vm1, v22, v17;
	v18 =	vsel vm6, v18, v19;
	[tilespmem:s1+$0xA0E0] =	vst v16  }
0x9e: {  	[tilespmem:s1+$0xA0F0] =	vst v16;
	_ =	sdelay $0x1  }
0x9f: {  	v17 =	vsel vm0, v17, v18  }
0xa0: {  	[tilespmem:v20+s1+$0xA000] =	vst.idx.msk $0xffff, v17  }
0xa1: {  	s1 =	sshra.s32 s7, $0x2  }
0xa2: {  	v23 =	vld.idx.msk [tilespmem:v2+s1+$0x2000], $0xffff  }
0xa3: {  	v28 =	vld.idx.msk [tilespmem:v10+s1+$0x2000], $0xffff  }
0xa4: {  	v18 =	vld.idx.msk [tilespmem:v9+s1+$0x2000], $0xffff  }
0xa5: {  	v19 =	vld.idx.msk [tilespmem:v8+s1+$0x2000], $0xffff  }
0xa6: {  	v21 =	vld.idx.msk [tilespmem:v1+s1+$0x2000], $0xffff  }
0xa7: {  	v22 =	vld.idx.msk [tilespmem:v0+s1+$0x2000], $0xffff  }
0xa8: {  	v20 =	vld.idx.msk [tilespmem:v11+s1+$0x2000], $0xffff  }
0xa9: {  	v26 =	vld.idx.msk [tilespmem:v3+s1+$0x2000], $0xffff  }
0xaa: {  	v17 =	vand.u32 $0x7FFFFFFF, v18  }
0xab: {  	v25 =	vand.u32 $0x7FFFFFFF, v28;
	v24 =	vand.u32 $0x7FFFFFFF, v19  }
0xac: {  	v27 =	vand.u32 $0x7FFFFFFF, v21;
	vm0 =	vgt.f32 v17, v24;
	v29 =	vmax.f32 v17, v24;
	v17 =	vld.idx.msk [tilespmem:v12+s1+$0x2000], $0xffff  }
0xad: {  	v30 =	vand.u32 $0x7FFFFFFF, v22;
	v33 =	vsel vm0, v9, v8;
	vm1 =	vgt.f32 v25, v29;
	v24 =	vld.idx.msk [tilespmem:v4+s1+$0x2000], $0xffff  }
0xae: {  	v32 =	vand.u32 $0x7FFFFFFF, v23;
	v34 =	vsel vm0, v18, v19;
	v31 =	vmax.f32 v27, v30  }
0xaf: {  	vm0 =	vgt.f32 v27, v30;
	v36 =	vand.u32 $0x7FFFFFFF, v20;
	v27 =	vmax.f32 v32, v31;
	v19 =	vld.idx.msk [tilespmem:v13+s1+$0x2000], $0xffff  }
0xb0: {  	v25 =	vmax.f32 v25, v29;
	vm3 =	vgt.f32 v32, v31;
	v37 =	vand.u32 $0x7FFFFFFF, v26;
	v18 =	vld.idx.msk [tilespmem:v7+s1+$0x2000], $0xffff  }
.Ltmp3:
0xb1: {  	v29 =	vsel vm0, v21, v22;
	v22 =	vsel vm0, v1, v0;
	vm2 =	vgt.f32 v37, v27;
	v21 =	vld.idx.msk [tilespmem:v14+s1+$0x2000], $0xffff;
	(pc) =	sbr.rel @p2 .LBB2_5-.Ltmp3, $4  }
0xb2: {  	vm0 =	vgt.f32 v36, v25;
	v30 =	vsel vm3, v2, v22;
	v32 =	vand.u32 $0x7FFFFFFF, v17;
	v22 =	vld.idx.msk [tilespmem:v15+s1+$0x2000], $0xffff  }
0xb3: {  	v35 =	vsel vm1, v10, v33;
	v36 =	vmax.f32 v36, v25;
	v31 =	vsel vm3, v23, v29;
	v23 =	vld.idx.msk [tilespmem:v6+s1+$0x2000], $0xffff  }
0xb4: {  	v28 =	vsel vm1, v28, v34;
	v27 =	vmax.f32 v37, v27;
	v29 =	vand.u32 $0x7FFFFFFF, v24;
	v25 =	vld.idx.msk [tilespmem:v5+s1+$0x2000], $0xffff  }
0xb5: {  	v33 =	vmax.f32 v32, v36;
	vm1 =	vgt.f32 v29, v27;
	v34 =	vand.u32 $0x7FFFFFFF, v19;
	[tilespmem:s1+$0xA000] =	vst v16  }
0xb6: {  	v37 =	vand.u32 $0x7FFFFFFF, v18;
	v35 =	vsel vm0, v11, v35  }
0xb7: {  	vm3 =	vgt.f32 v32, v36;
	[tilespmem:s1+$0xA010] =	vst v16;
	v26 =	vsel vm2, v26, v31;
	v30 =	vsel vm2, v3, v30  }
0xb8: {  	[tilespmem:s1+$0xA020] =	vst v16;
	v55 =	vmax.f32 v34, v33;
	v56 =	vand.u32 $0x7FFFFFFF, v21;
	vm4 =	vgt.f32 v34, v33  }
0xb9: {  	[tilespmem:s1+$0xA030] =	vst v16;
	v27 =	vmax.f32 v29, v27;
	v20 =	vsel vm0, v20, v28;
	v31 =	vsel vm3, v12, v35  }
0xba: {  	[tilespmem:s1+$0xA040] =	vst v16;
	vm2 =	vgt.f32 v56, v55;
	v32 =	vmax.f32 v56, v55;
	v58 =	vand.u32 $0x7FFFFFFF, v22  }
0xbb: {  	[tilespmem:s1+$0xA050] =	vst v16;
	v30 =	vsel vm1, v4, v30;
	v57 =	vand.u32 $0x7FFFFFFF, v23;
	v31 =	vsel vm4, v13, v31  }
0xbc: {  	[tilespmem:s1+$0xA060] =	vst v16;
	vm5 =	vgt.f32 v58, v32;
	v31 =	vsel vm2, v14, v31;
	v28 =	vand.u32 $0x7FFFFFFF, v25  }
0xbd: {  	[tilespmem:s1+$0xA070] =	vst v16;
	vm0 =	vgt.f32 v28, v27;
	v27 =	vmax.f32 v28, v27;
	v28 =	vmax.f32 v58, v32  }
0xbe: {  	[tilespmem:s1+$0xA080] =	vst v16;
	v29 =	vsel vm0, v5, v30;
	vm6 =	vgt.f32 v57, v27;
	v27 =	vmax.f32 v57, v27  }
0xbf: {  	[tilespmem:s1+$0xA090] =	vst v16;
	v29 =	vsel vm6, v6, v29;
	vm7 =	vgt.f32 v37, v27;
	v27 =	vmax.f32 v37, v27  }
0xc0: {  	[tilespmem:s1+$0xA0A0] =	vst v16;
	v30 =	vsel vm5, v15, v31;
	v29 =	vsel vm7, v7, v29;
	vm8 =	vgt.f32 v28, v27  }
0xc1: {  	[tilespmem:s1+$0xA0B0] =	vst v16;
	v24 =	vsel vm1, v24, v26;
	v17 =	vsel vm3, v17, v20;
	v20 =	vsel vm8, v30, v29  }
0xc2: {  	[tilespmem:s1+$0xA0C0] =	vst v16;
	v17 =	vsel vm4, v19, v17;
	v24 =	vsel vm0, v25, v24  }
0xc3: {  	[tilespmem:s1+$0xA0D0] =	vst v16;
	v17 =	vsel vm2, v21, v17;
	v19 =	vsel vm6, v23, v24  }
0xc4: {  	[tilespmem:s1+$0xA0E0] =	vst v16;
	v17 =	vsel vm5, v22, v17;
	v18 =	vsel vm7, v18, v19  }
0xc5: {  	[tilespmem:s1+$0xA0F0] =	vst v16;
	s5 =	sadd.s32 s3, s14;
	s0 =	sadd.s32 @!p1 $0x4, s0;
	v17 =	vsel vm8, v17, v18  }
0xc6: {  	s7 =	sadd.s32 s13, s5;
	[tilespmem:v20+s1+$0xA000] =	vst.idx.msk $0xffff, v17;
	s1 =	sshll.u32 @!p1 s0, $0x4  }
0xc7: {  	[hbm4b:s7+s11] =	stream.strided.scatter [tilespmem:s19], [sflag:$0x6], $0x2000, s12, s11, $0x38;
	[tilespmem:$0x10000] =	vst v63  }
0xc8: {  	s0 =	sshll.u32 @!p1 s0, $0xA;
	s1 =	sand.u32 @!p1 $0x50, s1  }
0xc9: {  	s5 =	simm.s32 @!p1 $0x400;
	s0 =	sand.u32 @!p1 $0xFFFE000, s0;
	s1 =	sadd.s32 @!p1 s2, s1  }
0xca: {  	s7 =	simm.s32 @!p1 $0x2000;
	s0 =	sadd.s32 @!p1 s0, s1;
	s1 =	simm.s32 @!p1 $0x80  }
0xcb: {  	[tilespmem:s7], [sflag:$0x2] =	stream.strided.gather @!p1 [hbm4b:s0+s1], $0x2000, s5, s1, $0x38;
	[tilespmem:$0x10000] =	vst v63  }
0xcc: {  	_ =	swait.ge [sflag:s20], $0x2000  }
0xcd: {  	[sflag:s20] =	ssyncset.done $0x0  }
0xce: {  	s0 =	simm.s32 @!p0 $0x7;
	[sflag:s20] =	ssyncadd.s32 $0xFFFFE000  }
0xcf: {  	_ =	swait.ge @!p0 [sflag:s0], $0x2000  }
0xd0: {  	[sflag:s0] =	ssyncset.done @!p0 $0x0  }
0xd1: {  	s1 =	simm.s32 $0x0;
	[sflag:s0] =	ssyncadd.s32 @!p0 $0xFFFFE000  }
0xd2: {  	v28 =	vld.idx.msk [tilespmem:v10+s1+$0x4000], $0xffff  }
0xd3: {  	v18 =	vld.idx.msk [tilespmem:v9+s1+$0x4000], $0xffff  }
0xd4: {  	v19 =	vld.idx.msk [tilespmem:v8+s1+$0x4000], $0xffff  }
0xd5: {  	v21 =	vld.idx.msk [tilespmem:v1+s1+$0x4000], $0xffff  }
0xd6: {  	v22 =	vld.idx.msk [tilespmem:v0+s1+$0x4000], $0xffff  }
0xd7: {  	v23 =	vld.idx.msk [tilespmem:v2+s1+$0x4000], $0xffff  }
0xd8: {  	v20 =	vld.idx.msk [tilespmem:v11+s1+$0x4000], $0xffff  }
0xd9: {  	v26 =	vld.idx.msk [tilespmem:v3+s1+$0x4000], $0xffff;
	_ =	sdelay $0x2  }
0xda: {  	v17 =	vand.u32 $0x7FFFFFFF, v18;
	v24 =	vand.u32 $0x7FFFFFFF, v19;
	v25 =	vand.u32 $0x7FFFFFFF, v28  }
0xdb: {  	v27 =	vand.u32 $0x7FFFFFFF, v21;
	v30 =	vand.u32 $0x7FFFFFFF, v22;
	v60 =	vand.u32 $0x7FFFFFFF, v23  }
0xdc: {  	v62 =	vand.u32 $0x7FFFFFFF, v20;
	v63 =	vand.u32 $0x7FFFFFFF, v26;
	vm0 =	vgt.f32 v17, v24  }
0xdd: {  	v29 =	vmax.f32 v17, v24;
	v17 =	vld.idx.msk [tilespmem:v12+s1+$0x4000], $0xffff;
	v31 =	vmax.f32 v27, v30;
	v59 =	vsel vm0, v9, v8  }
0xde: {  	v24 =	vld.idx.msk [tilespmem:v4+s1+$0x4000], $0xffff;
	vm1 =	vgt.f32 v25, v29;
	v61 =	vsel vm0, v18, v19;
	vm0 =	vgt.f32 v27, v30  }
0xdf: {  	v27 =	vmax.f32 v60, v31;
	v19 =	vld.idx.msk [tilespmem:v13+s1+$0x4000], $0xffff;
	vm3 =	vgt.f32 v60, v31;
	v25 =	vmax.f32 v25, v29  }
0xe0: {  	v18 =	vld.idx.msk [tilespmem:v7+s1+$0x4000], $0xffff;
	v29 =	vsel vm0, v21, v22;
	v22 =	vsel vm0, v1, v0;
	vm2 =	vgt.f32 v63, v27  }
0xe1: {  	s13 =	sor.u32 $0x2, s31;
	v21 =	vld.idx.msk [tilespmem:v14+s1+$0x4000], $0xffff;
	vm0 =	vgt.f32 v62, v25;
	v35 =	vsel vm1, v10, v59;
	v36 =	vmax.f32 v62, v25  }
0xe2: {  	s0 =	sor.u32 s4, s13;
	v27 =	vmax.f32 v63, v27;
	v25 =	vld.idx.msk [tilespmem:v5+s1+$0x4000], $0xffff;
	v28 =	vsel vm1, v28, v61;
	v30 =	vsel vm3, v2, v22  }
0xe3: {  	s5 =	sshll.u32 s13, $0x4;
	s14 =	sshll.u32 s0, $0xA;
	v31 =	vsel vm3, v23, v29;
	v23 =	vld.idx.msk [tilespmem:v6+s1+$0x4000], $0xffff;
	v32 =	vand.u32 $0x7FFFFFFF, v17;
	v29 =	vand.u32 $0x7FFFFFFF, v24  }
0xe4: {  	s13 =	sand.u32 $0x3FE000, s14;
	s14 =	sand.u32 $0x60, s5;
	s5 =	simm.s32 $0x400;
	v22 =	vld.idx.msk [tilespmem:v15+s1+$0x4000], $0xffff;
	[tilespmem:s1+$0xC000] =	vst v16;
	vm1 =	vgt.f32 v29, v27;
	v33 =	vmax.f32 v32, v36;
	v34 =	vand.u32 $0x7FFFFFFF, v19  }
.LBB2_7:
0xe5: {  	p2 =	sne.s32 s5, $0x7C00;
	v37 =	vand.u32 $0x7FFFFFFF, v18;
	v35 =	vsel vm0, v11, v35;
	vm3 =	vgt.f32 v32, v36;
	[tilespmem:s1+$0xC010] =	vst v16;
	s7 =	smov.u32 s5;
	s5 =	sadd.s32 $0x400, s5  }
0xe6: {  	v26 =	vsel vm2, v26, v31;
	v30 =	vsel vm2, v3, v30;
	v31 =	vsel vm3, v12, v35;
	[tilespmem:s1+$0xC020] =	vst v16  }
0xe7: {  	v32 =	vand.u32 $0x7FFFFFFF, v21;
	v24 =	vsel vm1, v24, v26;
	v26 =	vmax.f32 v34, v33;
	[tilespmem:s1+$0xC030] =	vst v16  }
0xe8: {  	vm4 =	vgt.f32 v34, v33;
	v35 =	vand.u32 $0x7FFFFFFF, v23;
	vm2 =	vgt.f32 v32, v26;
	[tilespmem:s1+$0xC040] =	vst v16  }
0xe9: {  	v31 =	vsel vm4, v13, v31;
	v26 =	vmax.f32 v32, v26;
	v32 =	vand.u32 $0x7FFFFFFF, v22;
	[tilespmem:s1+$0xC050] =	vst v16  }
0xea: {  	v30 =	vsel vm1, v4, v30;
	v31 =	vsel vm2, v14, v31;
	vm1 =	vgt.f32 v32, v26;
	[tilespmem:s1+$0xC060] =	vst v16  }
0xeb: {  	v27 =	vmax.f32 v29, v27;
	v20 =	vsel vm0, v20, v28;
	v29 =	vand.u32 $0x7FFFFFFF, v25;
	[tilespmem:s1+$0xC070] =	vst v16  }
0xec: {  	v26 =	vmax.f32 v32, v26;
	vm0 =	vgt.f32 v29, v27;
	v27 =	vmax.f32 v29, v27;
	[tilespmem:s1+$0xC080] =	vst v16  }
0xed: {  	v28 =	vsel vm0, v5, v30;
	vm5 =	vgt.f32 v35, v27;
	v27 =	vmax.f32 v35, v27;
	[tilespmem:s1+$0xC090] =	vst v16  }
0xee: {  	v28 =	vsel vm5, v6, v28;
	vm6 =	vgt.f32 v37, v27;
	v27 =	vmax.f32 v37, v27;
	[tilespmem:s1+$0xC0A0] =	vst v16  }
0xef: {  	v17 =	vsel vm3, v17, v20;
	v20 =	vsel vm1, v15, v31;
	v28 =	vsel vm6, v7, v28;
	[tilespmem:s1+$0xC0B0] =	vst v16  }
0xf0: {  	v17 =	vsel vm4, v19, v17;
	v24 =	vsel vm0, v25, v24;
	vm0 =	vgt.f32 v26, v27;
	[tilespmem:s1+$0xC0C0] =	vst v16  }
0xf1: {  	v17 =	vsel vm2, v21, v17;
	v19 =	vsel vm5, v23, v24;
	v20 =	vsel vm0, v20, v28;
	[tilespmem:s1+$0xC0D0] =	vst v16  }
0xf2: {  	v17 =	vsel vm1, v22, v17;
	v18 =	vsel vm6, v18, v19;
	[tilespmem:s1+$0xC0E0] =	vst v16  }
0xf3: {  	[tilespmem:s1+$0xC0F0] =	vst v16;
	_ =	sdelay $0x1  }
0xf4: {  	v17 =	vsel vm0, v17, v18  }
0xf5: {  	[tilespmem:v20+s1+$0xC000] =	vst.idx.msk $0xffff, v17  }
0xf6: {  	s1 =	sshra.s32 s7, $0x2  }
0xf7: {  	v23 =	vld.idx.msk [tilespmem:v2+s1+$0x4000], $0xffff  }
0xf8: {  	v28 =	vld.idx.msk [tilespmem:v10+s1+$0x4000], $0xffff  }
0xf9: {  	v18 =	vld.idx.msk [tilespmem:v9+s1+$0x4000], $0xffff  }
0xfa: {  	v19 =	vld.idx.msk [tilespmem:v8+s1+$0x4000], $0xffff  }
0xfb: {  	v21 =	vld.idx.msk [tilespmem:v1+s1+$0x4000], $0xffff  }
0xfc: {  	v22 =	vld.idx.msk [tilespmem:v0+s1+$0x4000], $0xffff  }
0xfd: {  	v20 =	vld.idx.msk [tilespmem:v11+s1+$0x4000], $0xffff  }
0xfe: {  	v26 =	vld.idx.msk [tilespmem:v3+s1+$0x4000], $0xffff  }
0xff: {  	v17 =	vand.u32 $0x7FFFFFFF, v18  }
0x100: {  	v25 =	vand.u32 $0x7FFFFFFF, v28;
	v24 =	vand.u32 $0x7FFFFFFF, v19  }
0x101: {  	v27 =	vand.u32 $0x7FFFFFFF, v21;
	vm0 =	vgt.f32 v17, v24;
	v29 =	vmax.f32 v17, v24;
	v17 =	vld.idx.msk [tilespmem:v12+s1+$0x4000], $0xffff  }
0x102: {  	v30 =	vand.u32 $0x7FFFFFFF, v22;
	v33 =	vsel vm0, v9, v8;
	vm1 =	vgt.f32 v25, v29;
	v24 =	vld.idx.msk [tilespmem:v4+s1+$0x4000], $0xffff  }
0x103: {  	v32 =	vand.u32 $0x7FFFFFFF, v23;
	v34 =	vsel vm0, v18, v19;
	v31 =	vmax.f32 v27, v30  }
0x104: {  	vm0 =	vgt.f32 v27, v30;
	v36 =	vand.u32 $0x7FFFFFFF, v20;
	v27 =	vmax.f32 v32, v31;
	v19 =	vld.idx.msk [tilespmem:v13+s1+$0x4000], $0xffff  }
0x105: {  	v25 =	vmax.f32 v25, v29;
	vm3 =	vgt.f32 v32, v31;
	v37 =	vand.u32 $0x7FFFFFFF, v26;
	v18 =	vld.idx.msk [tilespmem:v7+s1+$0x4000], $0xffff  }
.Ltmp4:
0x106: {  	v29 =	vsel vm0, v21, v22;
	v22 =	vsel vm0, v1, v0;
	vm2 =	vgt.f32 v37, v27;
	v21 =	vld.idx.msk [tilespmem:v14+s1+$0x4000], $0xffff;
	(pc) =	sbr.rel @p2 .LBB2_7-.Ltmp4, $4  }
0x107: {  	vm0 =	vgt.f32 v36, v25;
	v30 =	vsel vm3, v2, v22;
	v32 =	vand.u32 $0x7FFFFFFF, v17;
	v22 =	vld.idx.msk [tilespmem:v15+s1+$0x4000], $0xffff  }
0x108: {  	v35 =	vsel vm1, v10, v33;
	v36 =	vmax.f32 v36, v25;
	v31 =	vsel vm3, v23, v29;
	v23 =	vld.idx.msk [tilespmem:v6+s1+$0x4000], $0xffff  }
0x109: {  	v28 =	vsel vm1, v28, v34;
	v27 =	vmax.f32 v37, v27;
	v29 =	vand.u32 $0x7FFFFFFF, v24;
	v25 =	vld.idx.msk [tilespmem:v5+s1+$0x4000], $0xffff  }
0x10a: {  	v33 =	vmax.f32 v32, v36;
	vm1 =	vgt.f32 v29, v27;
	v34 =	vand.u32 $0x7FFFFFFF, v19;
	[tilespmem:s1+$0xC000] =	vst v16  }
0x10b: {  	v37 =	vand.u32 $0x7FFFFFFF, v18;
	v35 =	vsel vm0, v11, v35  }
0x10c: {  	vm3 =	vgt.f32 v32, v36;
	[tilespmem:s1+$0xC010] =	vst v16;
	v26 =	vsel vm2, v26, v31;
	v30 =	vsel vm2, v3, v30  }
0x10d: {  	[tilespmem:s1+$0xC020] =	vst v16;
	v55 =	vmax.f32 v34, v33;
	v56 =	vand.u32 $0x7FFFFFFF, v21;
	vm4 =	vgt.f32 v34, v33  }
0x10e: {  	[tilespmem:s1+$0xC030] =	vst v16;
	v27 =	vmax.f32 v29, v27;
	v20 =	vsel vm0, v20, v28;
	v31 =	vsel vm3, v12, v35  }
0x10f: {  	[tilespmem:s1+$0xC040] =	vst v16;
	vm2 =	vgt.f32 v56, v55;
	v32 =	vmax.f32 v56, v55;
	v58 =	vand.u32 $0x7FFFFFFF, v22  }
0x110: {  	[tilespmem:s1+$0xC050] =	vst v16;
	v30 =	vsel vm1, v4, v30;
	v57 =	vand.u32 $0x7FFFFFFF, v23;
	v31 =	vsel vm4, v13, v31  }
0x111: {  	[tilespmem:s1+$0xC060] =	vst v16;
	vm5 =	vgt.f32 v58, v32;
	v31 =	vsel vm2, v14, v31;
	v28 =	vand.u32 $0x7FFFFFFF, v25  }
0x112: {  	[tilespmem:s1+$0xC070] =	vst v16;
	vm0 =	vgt.f32 v28, v27;
	v27 =	vmax.f32 v28, v27;
	v28 =	vmax.f32 v58, v32  }
0x113: {  	[tilespmem:s1+$0xC080] =	vst v16;
	v29 =	vsel vm0, v5, v30;
	vm6 =	vgt.f32 v57, v27;
	v27 =	vmax.f32 v57, v27  }
0x114: {  	[tilespmem:s1+$0xC090] =	vst v16;
	v29 =	vsel vm6, v6, v29;
	vm7 =	vgt.f32 v37, v27;
	v27 =	vmax.f32 v37, v27  }
0x115: {  	[tilespmem:s1+$0xC0A0] =	vst v16;
	v30 =	vsel vm5, v15, v31;
	v29 =	vsel vm7, v7, v29;
	vm8 =	vgt.f32 v28, v27  }
0x116: {  	[tilespmem:s1+$0xC0B0] =	vst v16;
	v24 =	vsel vm1, v24, v26;
	v17 =	vsel vm3, v17, v20;
	v20 =	vsel vm8, v30, v29  }
0x117: {  	[tilespmem:s1+$0xC0C0] =	vst v16;
	v17 =	vsel vm4, v19, v17;
	v24 =	vsel vm0, v25, v24  }
0x118: {  	[tilespmem:s1+$0xC0D0] =	vst v16;
	v17 =	vsel vm2, v21, v17;
	v19 =	vsel vm6, v23, v24  }
0x119: {  	[tilespmem:s1+$0xC0E0] =	vst v16;
	v17 =	vsel vm5, v22, v17;
	v18 =	vsel vm7, v18, v19  }
0x11a: {  	[tilespmem:s1+$0xC0F0] =	vst v16;
	s5 =	sadd.s32 s3, s14;
	s0 =	sadd.s32 @!p1 $0x4, s0;
	v17 =	vsel vm8, v17, v18  }
0x11b: {  	s7 =	sadd.s32 s13, s5;
	[tilespmem:v20+s1+$0xC000] =	vst.idx.msk $0xffff, v17;
	s1 =	sshll.u32 @!p1 s0, $0x4  }
0x11c: {  	[hbm4b:s7+s11] =	stream.strided.scatter [tilespmem:s21], [sflag:$0x7], $0x2000, s12, s11, $0x38;
	[tilespmem:$0x10000] =	vst v63  }
0x11d: {  	s0 =	sshll.u32 @!p1 s0, $0xA;
	s1 =	sand.u32 @!p1 $0x60, s1  }
0x11e: {  	s5 =	simm.s32 @!p1 $0x400;
	s0 =	sand.u32 @!p1 $0xFFFE000, s0;
	s1 =	sadd.s32 @!p1 s2, s1  }
0x11f: {  	s7 =	simm.s32 @!p1 $0x4000;
	s0 =	sadd.s32 @!p1 s0, s1;
	s1 =	simm.s32 @!p1 $0x80  }
0x120: {  	[tilespmem:s7], [sflag:$0x3] =	stream.strided.gather @!p1 [hbm4b:s0+s1], $0x2000, s5, s1, $0x38;
	[tilespmem:$0x10000] =	vst v63  }
0x121: {  	_ =	swait.ge [sflag:s22], $0x2000  }
0x122: {  	[sflag:s22] =	ssyncset.done $0x0  }
0x123: {  	s0 =	simm.s32 @!p0 $0x8;
	[sflag:s22] =	ssyncadd.s32 $0xFFFFE000  }
0x124: {  	_ =	swait.ge @!p0 [sflag:s0], $0x2000  }
0x125: {  	[sflag:s0] =	ssyncset.done @!p0 $0x0  }
0x126: {  	s1 =	simm.s32 $0x0;
	[sflag:s0] =	ssyncadd.s32 @!p0 $0xFFFFE000  }
0x127: {  	v28 =	vld.idx.msk [tilespmem:v10+s1+$0x6000], $0xffff  }
0x128: {  	v18 =	vld.idx.msk [tilespmem:v9+s1+$0x6000], $0xffff  }
0x129: {  	v19 =	vld.idx.msk [tilespmem:v8+s1+$0x6000], $0xffff  }
0x12a: {  	v21 =	vld.idx.msk [tilespmem:v1+s1+$0x6000], $0xffff  }
0x12b: {  	v22 =	vld.idx.msk [tilespmem:v0+s1+$0x6000], $0xffff  }
0x12c: {  	v23 =	vld.idx.msk [tilespmem:v2+s1+$0x6000], $0xffff  }
0x12d: {  	v20 =	vld.idx.msk [tilespmem:v11+s1+$0x6000], $0xffff  }
0x12e: {  	v26 =	vld.idx.msk [tilespmem:v3+s1+$0x6000], $0xffff;
	_ =	sdelay $0x2  }
0x12f: {  	v17 =	vand.u32 $0x7FFFFFFF, v18;
	v24 =	vand.u32 $0x7FFFFFFF, v19;
	v25 =	vand.u32 $0x7FFFFFFF, v28  }
0x130: {  	v27 =	vand.u32 $0x7FFFFFFF, v21;
	v30 =	vand.u32 $0x7FFFFFFF, v22;
	v60 =	vand.u32 $0x7FFFFFFF, v23  }
0x131: {  	v62 =	vand.u32 $0x7FFFFFFF, v20;
	v63 =	vand.u32 $0x7FFFFFFF, v26;
	vm0 =	vgt.f32 v17, v24  }
0x132: {  	v29 =	vmax.f32 v17, v24;
	v17 =	vld.idx.msk [tilespmem:v12+s1+$0x6000], $0xffff;
	v31 =	vmax.f32 v27, v30;
	v59 =	vsel vm0, v9, v8  }
0x133: {  	v24 =	vld.idx.msk [tilespmem:v4+s1+$0x6000], $0xffff;
	vm1 =	vgt.f32 v25, v29;
	v61 =	vsel vm0, v18, v19;
	vm0 =	vgt.f32 v27, v30  }
0x134: {  	v27 =	vmax.f32 v60, v31;
	v19 =	vld.idx.msk [tilespmem:v13+s1+$0x6000], $0xffff;
	vm3 =	vgt.f32 v60, v31;
	v25 =	vmax.f32 v25, v29  }
0x135: {  	v18 =	vld.idx.msk [tilespmem:v7+s1+$0x6000], $0xffff;
	v29 =	vsel vm0, v21, v22;
	v22 =	vsel vm0, v1, v0;
	vm2 =	vgt.f32 v63, v27  }
0x136: {  	s13 =	sor.u32 $0x3, s31;
	v21 =	vld.idx.msk [tilespmem:v14+s1+$0x6000], $0xffff;
	vm0 =	vgt.f32 v62, v25;
	v35 =	vsel vm1, v10, v59;
	v36 =	vmax.f32 v62, v25  }
0x137: {  	s31 =	sor.u32 s4, s13;
	s5 =	sshll.u32 s13, $0x4;
	v27 =	vmax.f32 v63, v27;
	v25 =	vld.idx.msk [tilespmem:v5+s1+$0x6000], $0xffff;
	v28 =	vsel vm1, v28, v61;
	v30 =	vsel vm3, v2, v22  }
0x138: {  	s14 =	sshll.u32 s31, $0xA;
	s13 =	sand.u32 $0x70, s5;
	v31 =	vsel vm3, v23, v29;
	v23 =	vld.idx.msk [tilespmem:v6+s1+$0x6000], $0xffff;
	v32 =	vand.u32 $0x7FFFFFFF, v17;
	v29 =	vand.u32 $0x7FFFFFFF, v24  }
0x139: {  	s5 =	simm.s32 $0x400;
	s0 =	sand.u32 $0x3FE000, s14;
	v22 =	vld.idx.msk [tilespmem:v15+s1+$0x6000], $0xffff;
	[tilespmem:s1+$0xE000] =	vst v16;
	vm1 =	vgt.f32 v29, v27;
	v33 =	vmax.f32 v32, v36;
	v34 =	vand.u32 $0x7FFFFFFF, v19  }
.LBB2_9:
0x13a: {  	p0 =	sne.s32 s5, $0x7C00;
	v37 =	vand.u32 $0x7FFFFFFF, v18;
	v35 =	vsel vm0, v11, v35;
	vm3 =	vgt.f32 v32, v36;
	[tilespmem:s1+$0xE010] =	vst v16;
	s7 =	smov.u32 s5;
	s5 =	sadd.s32 $0x400, s5  }
0x13b: {  	v26 =	vsel vm2, v26, v31;
	v30 =	vsel vm2, v3, v30;
	v31 =	vsel vm3, v12, v35;
	[tilespmem:s1+$0xE020] =	vst v16  }
0x13c: {  	v32 =	vand.u32 $0x7FFFFFFF, v21;
	v24 =	vsel vm1, v24, v26;
	v26 =	vmax.f32 v34, v33;
	[tilespmem:s1+$0xE030] =	vst v16  }
0x13d: {  	vm4 =	vgt.f32 v34, v33;
	v35 =	vand.u32 $0x7FFFFFFF, v23;
	vm2 =	vgt.f32 v32, v26;
	[tilespmem:s1+$0xE040] =	vst v16  }
0x13e: {  	v31 =	vsel vm4, v13, v31;
	v26 =	vmax.f32 v32, v26;
	v32 =	vand.u32 $0x7FFFFFFF, v22;
	[tilespmem:s1+$0xE050] =	vst v16  }
0x13f: {  	v30 =	vsel vm1, v4, v30;
	v31 =	vsel vm2, v14, v31;
	vm1 =	vgt.f32 v32, v26;
	[tilespmem:s1+$0xE060] =	vst v16  }
0x140: {  	v27 =	vmax.f32 v29, v27;
	v20 =	vsel vm0, v20, v28;
	v29 =	vand.u32 $0x7FFFFFFF, v25;
	[tilespmem:s1+$0xE070] =	vst v16  }
0x141: {  	v26 =	vmax.f32 v32, v26;
	vm0 =	vgt.f32 v29, v27;
	v27 =	vmax.f32 v29, v27;
	[tilespmem:s1+$0xE080] =	vst v16  }
0x142: {  	v28 =	vsel vm0, v5, v30;
	vm5 =	vgt.f32 v35, v27;
	v27 =	vmax.f32 v35, v27;
	[tilespmem:s1+$0xE090] =	vst v16  }
0x143: {  	v28 =	vsel vm5, v6, v28;
	vm6 =	vgt.f32 v37, v27;
	v27 =	vmax.f32 v37, v27;
	[tilespmem:s1+$0xE0A0] =	vst v16  }
0x144: {  	v17 =	vsel vm3, v17, v20;
	v20 =	vsel vm1, v15, v31;
	v28 =	vsel vm6, v7, v28;
	[tilespmem:s1+$0xE0B0] =	vst v16  }
0x145: {  	v17 =	vsel vm4, v19, v17;
	v24 =	vsel vm0, v25, v24;
	vm0 =	vgt.f32 v26, v27;
	[tilespmem:s1+$0xE0C0] =	vst v16  }
0x146: {  	v17 =	vsel vm2, v21, v17;
	v19 =	vsel vm5, v23, v24;
	v20 =	vsel vm0, v20, v28;
	[tilespmem:s1+$0xE0D0] =	vst v16  }
0x147: {  	v17 =	vsel vm1, v22, v17;
	v18 =	vsel vm6, v18, v19;
	[tilespmem:s1+$0xE0E0] =	vst v16  }
0x148: {  	[tilespmem:s1+$0xE0F0] =	vst v16;
	_ =	sdelay $0x1  }
0x149: {  	v17 =	vsel vm0, v17, v18  }
0x14a: {  	[tilespmem:v20+s1+$0xE000] =	vst.idx.msk $0xffff, v17  }
0x14b: {  	s1 =	sshra.s32 s7, $0x2  }
0x14c: {  	v23 =	vld.idx.msk [tilespmem:v2+s1+$0x6000], $0xffff  }
0x14d: {  	v28 =	vld.idx.msk [tilespmem:v10+s1+$0x6000], $0xffff  }
0x14e: {  	v18 =	vld.idx.msk [tilespmem:v9+s1+$0x6000], $0xffff  }
0x14f: {  	v19 =	vld.idx.msk [tilespmem:v8+s1+$0x6000], $0xffff  }
0x150: {  	v21 =	vld.idx.msk [tilespmem:v1+s1+$0x6000], $0xffff  }
0x151: {  	v22 =	vld.idx.msk [tilespmem:v0+s1+$0x6000], $0xffff  }
0x152: {  	v20 =	vld.idx.msk [tilespmem:v11+s1+$0x6000], $0xffff  }
0x153: {  	v26 =	vld.idx.msk [tilespmem:v3+s1+$0x6000], $0xffff  }
0x154: {  	v17 =	vand.u32 $0x7FFFFFFF, v18  }
0x155: {  	v25 =	vand.u32 $0x7FFFFFFF, v28;
	v24 =	vand.u32 $0x7FFFFFFF, v19  }
0x156: {  	v27 =	vand.u32 $0x7FFFFFFF, v21;
	vm0 =	vgt.f32 v17, v24;
	v29 =	vmax.f32 v17, v24;
	v17 =	vld.idx.msk [tilespmem:v12+s1+$0x6000], $0xffff  }
0x157: {  	v30 =	vand.u32 $0x7FFFFFFF, v22;
	v33 =	vsel vm0, v9, v8;
	vm1 =	vgt.f32 v25, v29;
	v24 =	vld.idx.msk [tilespmem:v4+s1+$0x6000], $0xffff  }
0x158: {  	v32 =	vand.u32 $0x7FFFFFFF, v23;
	v34 =	vsel vm0, v18, v19;
	v31 =	vmax.f32 v27, v30  }
0x159: {  	vm0 =	vgt.f32 v27, v30;
	v36 =	vand.u32 $0x7FFFFFFF, v20;
	v27 =	vmax.f32 v32, v31;
	v19 =	vld.idx.msk [tilespmem:v13+s1+$0x6000], $0xffff  }
0x15a: {  	v25 =	vmax.f32 v25, v29;
	vm3 =	vgt.f32 v32, v31;
	v37 =	vand.u32 $0x7FFFFFFF, v26;
	v18 =	vld.idx.msk [tilespmem:v7+s1+$0x6000], $0xffff  }
.Ltmp5:
0x15b: {  	v29 =	vsel vm0, v21, v22;
	v22 =	vsel vm0, v1, v0;
	vm2 =	vgt.f32 v37, v27;
	v21 =	vld.idx.msk [tilespmem:v14+s1+$0x6000], $0xffff;
	(pc) =	sbr.rel @p0 .LBB2_9-.Ltmp5, $4  }
0x15c: {  	vm0 =	vgt.f32 v36, v25;
	v30 =	vsel vm3, v2, v22;
	v32 =	vand.u32 $0x7FFFFFFF, v17;
	v22 =	vld.idx.msk [tilespmem:v15+s1+$0x6000], $0xffff  }
0x15d: {  	v35 =	vsel vm1, v10, v33;
	v36 =	vmax.f32 v36, v25;
	v31 =	vsel vm3, v23, v29;
	v23 =	vld.idx.msk [tilespmem:v6+s1+$0x6000], $0xffff  }
0x15e: {  	v28 =	vsel vm1, v28, v34;
	v27 =	vmax.f32 v37, v27;
	v29 =	vand.u32 $0x7FFFFFFF, v24;
	v25 =	vld.idx.msk [tilespmem:v5+s1+$0x6000], $0xffff  }
0x15f: {  	v33 =	vmax.f32 v32, v36;
	vm1 =	vgt.f32 v29, v27;
	v34 =	vand.u32 $0x7FFFFFFF, v19;
	[tilespmem:s1+$0xE000] =	vst v16  }
0x160: {  	v37 =	vand.u32 $0x7FFFFFFF, v18;
	v35 =	vsel vm0, v11, v35  }
0x161: {  	vm3 =	vgt.f32 v32, v36;
	[tilespmem:s1+$0xE010] =	vst v16;
	v26 =	vsel vm2, v26, v31;
	v30 =	vsel vm2, v3, v30  }
0x162: {  	[tilespmem:s1+$0xE020] =	vst v16;
	v55 =	vmax.f32 v34, v33;
	v56 =	vand.u32 $0x7FFFFFFF, v21;
	vm4 =	vgt.f32 v34, v33  }
0x163: {  	[tilespmem:s1+$0xE030] =	vst v16;
	v27 =	vmax.f32 v29, v27;
	v20 =	vsel vm0, v20, v28;
	v54 =	vsel vm3, v12, v35  }
0x164: {  	[tilespmem:s1+$0xE040] =	vst v16;
	vm14 =	vgt.f32 v56, v55;
	v32 =	vmax.f32 v56, v55;
	v58 =	vand.u32 $0x7FFFFFFF, v22  }
0x165: {  	[tilespmem:s1+$0xE050] =	vst v16;
	v30 =	vsel vm1, v4, v30;
	v57 =	vand.u32 $0x7FFFFFFF, v23;
	v31 =	vsel vm4, v13, v54  }
0x166: {  	[tilespmem:s1+$0xE060] =	vst v16;
	vm5 =	vgt.f32 v58, v32;
	v60 =	vmax.f32 v58, v32;
	v59 =	vand.u32 $0x7FFFFFFF, v25  }
0x167: {  	[tilespmem:s1+$0xE070] =	vst v16;
	v31 =	vsel vm14, v14, v31;
	vm15 =	vgt.f32 v59, v27;
	v27 =	vmax.f32 v59, v27  }
0x168: {  	[tilespmem:s1+$0xE080] =	vst v16;
	v61 =	vsel vm15, v5, v30;
	vm6 =	vgt.f32 v57, v27;
	v27 =	vmax.f32 v57, v27  }
0x169: {  	[tilespmem:s1+$0xE090] =	vst v16;
	v29 =	vsel vm6, v6, v61;
	vm7 =	vgt.f32 v37, v27;
	v27 =	vmax.f32 v37, v27  }
0x16a: {  	[tilespmem:s1+$0xE0A0] =	vst v16;
	v62 =	vsel vm5, v15, v31;
	v29 =	vsel vm7, v7, v29;
	vm8 =	vgt.f32 v60, v27  }
0x16b: {  	[tilespmem:s1+$0xE0B0] =	vst v16;
	v24 =	vsel vm1, v24, v26;
	v17 =	vsel vm3, v17, v20;
	v63 =	vsel vm8, v62, v29  }
0x16c: {  	[tilespmem:s1+$0xE0C0] =	vst v16;
	v17 =	vsel vm4, v19, v17;
	v24 =	vsel vm15, v25, v24  }
.Ltmp6:
0x16d: {  	[tilespmem:s1+$0xE0D0] =	vst v16;
	v17 =	vsel vm14, v21, v17;
	v19 =	vsel vm6, v23, v24;
	(pc) =	sbr.rel @p1 .LBB2_12-.Ltmp6, $4  }
0x16e: {  	[tilespmem:s1+$0xE0E0] =	vst v16;
	v17 =	vsel vm5, v22, v17;
	v18 =	vsel vm7, v18, v19  }
0x16f: {  	[tilespmem:s1+$0xE0F0] =	vst v16;
	s5 =	sadd.s32 s3, s13;
	v17 =	vsel vm8, v17, v18  }
0x170: {  	s0 =	sadd.s32 s0, s5;
	[tilespmem:v63+s1+$0xE000] =	vst.idx.msk $0xffff, v17  }
0x171: {  	[hbm4b:s0+s11] =	stream.strided.scatter [tilespmem:s23], [sflag:$0x8], $0x2000, s12, s11, $0x38;
	[tilespmem:$0x10000] =	vst v63  }
0x172: {  	s0 =	sadd.s32 $0x4, s31  }
.Ltmp7:
0x173: {  	s1 =	sshll.u32 s0, $0x4;
	(pc) =	sbr.rel .LBB2_2-.Ltmp7, $4  }
0x174: {  	s0 =	sshll.u32 s0, $0xA;
	s1 =	sand.u32 $0x70, s1  }
0x175: {  	s0 =	sand.u32 $0xFFFE000, s0;
	s1 =	sadd.s32 s2, s1  }
0x176: {  	s30 =	sadd.s32 $0x1, s30;
	s0 =	sadd.s32 s0, s1  }
0x177: {  	[tilespmem:s15], [sflag:$0x4] =	stream.strided.gather [hbm4b:s0+s11], $0x2000, s12, s11, $0x38;
	[tilespmem:$0x10000] =	vst v63  }
.LBB2_13:
0x178: {  	_ =	sfence.sel $0x180000  }
0x179: {  	[bflag:$0x0] =	sbarrier.arrive $0xFFFF  }
0x17a: {  	_ =	strace $0x90000047  }
0x17b: {  	s0 =	stileid.u32;
	[bflag:$0x2] =	sbarrier.arrive $0xFFFF  }
0x17c: {  	p0 =	sne.s32 s0, $0x0;
	s0 =	rddreg [dreg:$0x2]  }
0x17d: {  	s0 =	sadd.s32 @!p0 $0x100000, s0  }
0x17e: {  	[sflag:s0] =	ssyncadd.tile.s32 @!p0 $0x1;
	_ =	shalt  }
.Lfunc_end2:
_tile_overlayer_lowered:
.L_overlay_start_2:
0x17f: {  	(tag) =	ssettag $0x2  }
0x180: {  	s0 =	rddreg [dreg:$0x0];
	s2 =	stileid.u32  }
0x181: {  	s1 =	rddreg [dreg:$0x1];
	p0 =	sne.s32 s2, $0x0  }
0x182: {  	s3 =	rddreg [dreg:$0x2];
	[bflag:$0x3] =	sbarrier.arrive $0xFFFF;
	s2 =	simm.s32 @!p0 $0x1C09  }
0x183: {  	[timem:s3], [sflag:s2] =	dma.local @!p0 [hbm:s0], s1  }
0x184: {  	s0 =	simm.s32 @!p0 $0x9  }
0x185: {  	_ =	swait.ge @!p0 [sflag:s0], s1  }
0x186: {  	s1 =	ssub.s32 @!p0 $0x0, s1;
	[sflag:s0] =	ssyncset.done @!p0 $0x0  }
0x187: {  	[sflag:s0] =	ssyncadd.s32 @!p0 s1  }
0x188: {  	[bflag:$0x3] =	sbarrier.arrive $0xFFFF  }
0x189: {  	_ =	shalt  }

</sc_bundles>
